<compile_context>
chip_gen: v7x
topology: tpu7x:2x2x1
jax: 0.10.2.dev20260603
libtpu: 0.0.44.dev20260713+nightly
codegen_flags: <defaults>
</compile_context>

<pallas_src>
import functools

import jax
import jax.numpy as jnp
from jax import lax
from jax.experimental import pallas as pl
from jax.experimental.pallas import tpu as pltpu
from jax.experimental.pallas import tpu_sc as plsc

_NE = 2048
_D = 128
_BETA = 0.25
_R_BLK = 512
_CH = 16


def _tc_dist_argmin(flat, W):
    n_rows = flat.shape[0]
    n_blk = n_rows // _R_BLK

    def body(z_ref, w_ref, idx_ref, loss_ref, n2w_ref, wsq_ref, mmn_ref, eye_ref):
        @pl.when(pl.program_id(0) == 0)
        def _prep():
            w = w_ref[...]
            n2w_ref[...] = w * -2.0
            wsq_ref[...] = jnp.sum(w ** 2, axis=1, keepdims=True)
            r0 = lax.broadcasted_iota(jnp.int32, (_R_BLK, _R_BLK), 0)
            r1 = lax.broadcasted_iota(jnp.int32, (_R_BLK, _R_BLK), 1)
            eye_ref[...] = (r0 == r1).astype(jnp.float32)
            loss_ref[0, 0] = 0.0

        zb = z_ref[...]
        zsq = jnp.sum(zb ** 2, axis=1, keepdims=True)
        zsq_t = lax.dot_general(zsq, eye_ref[...], (((0,), (0,)), ((), ())),
                                precision=lax.Precision.HIGHEST,
                                preferred_element_type=jnp.float32)
        mmn_ref[...] = lax.dot_general(n2w_ref[...], zb,
                                       (((1,), (1,)), ((), ())),
                                       preferred_element_type=jnp.float32)
        srow = lax.broadcasted_iota(jnp.int32, (_CH, _R_BLK), 0)
        v = (zsq_t + mmn_ref[:_CH, :]) + wsq_ref[:_CH, :]
        c = srow
        for ch in range(1, _NE // _CH):
            sl = slice(ch * _CH, (ch + 1) * _CH)
            vc = (zsq_t + mmn_ref[sl, :]) + wsq_ref[sl, :]
            take = vc < v
            v = jnp.where(take, vc, v)
            c = jnp.where(take, srow + ch * _CH, c)
        k = _CH
        while k > 1:
            k //= 2
            v1, v2 = v[:k, :], v[k:, :]
            c1, c2 = c[:k, :], c[k:, :]
            take = (v2 < v1) | ((v2 == v1) & (c2 < c1))
            v = jnp.where(take, v2, v1)
            c = jnp.where(take, c2, c1)
        idx_ref[0, 0, :] = c[0]

        loss_ref[0, 0] += jnp.sum(v[0])

        @pl.when(pl.program_id(0) == pl.num_programs(0) - 1)
        def _finalize():
            a = loss_ref[0, 0] / (n_rows * _D)
            loss_ref[0, 0] = a + _BETA * a

    idx3, loss = pl.pallas_call(
        body,
        grid=(n_blk,),
        in_specs=[pl.BlockSpec((_R_BLK, _D), lambda i: (i, 0)),
                  pl.BlockSpec((_NE, _D), lambda i: (0, 0))],
        out_specs=[pl.BlockSpec((1, 1, _R_BLK), lambda i: (i, 0, 0)),
                   pl.BlockSpec(memory_space=pltpu.SMEM)],
        out_shape=[jax.ShapeDtypeStruct((n_blk, 1, _R_BLK), jnp.int32),
                   jax.ShapeDtypeStruct((1, 1), jnp.float32)],
        scratch_shapes=[pltpu.VMEM((_NE, _D), jnp.float32),
                        pltpu.VMEM((_NE, 1), jnp.float32),
                        pltpu.VMEM((_NE, _R_BLK), jnp.float32),
                        pltpu.VMEM((_R_BLK, _R_BLK), jnp.float32)],
    )(flat, W)
    return idx3.reshape(n_rows), loss[0, 0]


def _sc_gather(W, idx):
    info = plsc.get_sparse_core_info()
    nc, ns = info.num_cores, info.num_subcores
    nw = nc * ns
    n = idx.shape[0]
    bpw = n // nw
    nch = 3
    ch = bpw // nch
    idx3 = idx.reshape(nw, nch, ch)
    mesh = plsc.VectorSubcoreMesh(core_axis_name="c", subcore_axis_name="s")

    @functools.partial(
        pl.kernel, mesh=mesh,
        out_type=jax.ShapeDtypeStruct((n, _D), jnp.float32),
        scratch_types=[pltpu.VMEM((nch, ch), jnp.int32),
                       pltpu.VMEM((bpw, _D), jnp.float32),
                       pltpu.SemaphoreType.DMA],
    )
    def gk(table_hbm, idx_hbm, out_hbm, idx_v, rows_v, sem):
        wid = lax.axis_index("s") * nc + lax.axis_index("c")
        pltpu.sync_copy(idx_hbm.at[wid], idx_v)
        copies = [pltpu.async_copy(table_hbm.at[idx_v.at[j]],
                                   rows_v.at[pl.ds(j * ch, ch)], sem)
                  for j in range(nch)]
        for c in copies:
            c.wait()
        pltpu.sync_copy(rows_v, out_hbm.at[pl.ds(wid * bpw, bpw)])

    return gk(W, idx3)


def kernel(z, W):
    b, s, d = z.shape
    n_rows = b * s
    flat = z.reshape(n_rows, d)
    idx, loss = _tc_dist_argmin(flat, W)
    q = _sc_gather(W, idx)
    return q.reshape(z.shape), idx.reshape(b, s), loss

# --- scband reference (transcript-rebuilt; emitter-appended) ---
"""Pipeline reference for scband-vector-quantizer-58987080843732 (READ-ONLY COPY).

The authoritative reference and input builder live on the scoring server;
editing this copy changes nothing except your own understanding.
"""

import jax, jax.numpy as jnp
import numpy as np

NUM_EMBEDDINGS = 2048
EMBEDDING_DIM = 128
BETA = 0.25


def setup_inputs(seed: int = 0) -> dict:
    key = jax.random.key(seed)
    kz, kw = jax.random.split(key)
    z = jax.random.normal(kz, (16, 576, EMBEDDING_DIM), dtype=jnp.float32)
    # match torch init: uniform(-1/K, 1/K)
    W = jax.random.uniform(kw, (NUM_EMBEDDINGS, EMBEDDING_DIM), dtype=jnp.float32,
                           minval=-1.0 / NUM_EMBEDDINGS, maxval=1.0 / NUM_EMBEDDINGS)
    return {"z": z, "W": W}


def reference(z, W):
    flat = z.reshape(-1, EMBEDDING_DIM)
    dist = (jnp.sum(flat ** 2, axis=1, keepdims=True)
            - 2.0 * flat @ W.T
            + jnp.sum(W ** 2, axis=1))
    indices = jnp.argmin(dist, axis=1)
    quantized = jnp.take(W, indices, axis=0).reshape(z.shape)
    loss = (jnp.mean((jax.lax.stop_gradient(quantized) - z) ** 2)
            + BETA * jnp.mean((quantized - jax.lax.stop_gradient(z)) ** 2))
    quantized_st = z + jax.lax.stop_gradient(quantized - z)
    return (quantized_st, indices.reshape(z.shape[0], -1), loss)

if __name__ == "__main__":
    import jax
    _d = setup_inputs()
    print(jax.jit(kernel)(*tuple(_d.values())))

</pallas_src>

<mosaic_0001>
#map = affine_map<(d0, d1) -> (0, 0)>
#map1 = affine_map<(d0, d1) -> (0, 0, 0)>
module attributes {stable_mosaic.version = 14 : i64} {
  func.func @gk(%arg0: i32, %arg1: i32, %arg2: memref<2048x128xf32, #tpu.memory_space<hbm>>, %arg3: memref<32x3x96xi32, #tpu.memory_space<hbm>>, %arg4: memref<9216x128xf32, #tpu.memory_space<hbm>>, %arg5: memref<3x96xi32, #tpu.memory_space<vmem>>, %arg6: memref<288x128xf32, #tpu.memory_space<vmem>>, %arg7: memref<!tpu.dma_semaphore, #tpu.memory_space<semaphore_mem>>) attributes {dimension_semantics = [#tpu.dimension_semantics<core_parallel>, #tpu.dimension_semantics<subcore_parallel>], iteration_bounds = array<i64: 2, 16>, scalar_prefetch = 0 : i64, scratch_operands = 3 : i64, tpu.core_type = #tpu.core_type<sc_vector_subcore>, window_params = [{transform_indices = #map}, {transform_indices = #map1}, {transform_indices = #map}]} {
    %mul3A = arith.constant 2 : i32
    %mul3A_0 = arith.muli %arg1, %mul3A : i32
    %add3A = arith.addi %mul3A_0, %arg0 : i32
    "tpu.region"() ({
      %run_scoped3A = tpu.sem_alloc : memref<!tpu.dma_semaphore, #tpu.memory_space<semaphore_mem>>
      %dma_start3A_61 = arith.constant 0 : i32
      %dma_start3A_62 = arith.constant 0 : i32
      %dma_start3A_63 = tpu.memref_slice %arg3[%add3A, %dma_start3A_61, %dma_start3A_62] : memref<32x3x96xi32, #tpu.memory_space<hbm>> -> memref<1x3x96xi32, #tpu.memory_space<hbm>>
      %dma_start3A_64 = tpu.memref_squeeze %dma_start3A_63 : memref<1x3x96xi32, #tpu.memory_space<hbm>> -> memref<3x96xi32, #tpu.memory_space<hbm>>
      %dma_start3A_65 = arith.constant 0 : i32
      %dma_start3A_66 = arith.constant 0 : i32
      %dma_start3A_67 = tpu.memref_slice %arg3[%add3A, %dma_start3A_65, %dma_start3A_66] : memref<32x3x96xi32, #tpu.memory_space<hbm>> -> memref<1x3x96xi32, #tpu.memory_space<hbm>>
      %dma_start3A_68 = tpu.memref_squeeze %dma_start3A_67 : memref<1x3x96xi32, #tpu.memory_space<hbm>> -> memref<3x96xi32, #tpu.memory_space<hbm>>
      tpu.enqueue_dma source(%dma_start3A_68 : memref<3x96xi32, #tpu.memory_space<hbm>>) target(%arg5 : memref<3x96xi32, #tpu.memory_space<vmem>>) target_semaphore(%run_scoped3A : memref<!tpu.dma_semaphore, #tpu.memory_space<semaphore_mem>>)
      %dma_wait3A_69 = arith.constant 0 : i32
      %dma_wait3A_70 = arith.constant 0 : i32
      %dma_wait3A_71 = tpu.memref_slice %arg3[%add3A, %dma_wait3A_69, %dma_wait3A_70] : memref<32x3x96xi32, #tpu.memory_space<hbm>> -> memref<1x3x96xi32, #tpu.memory_space<hbm>>
      %dma_wait3A_72 = tpu.memref_squeeze %dma_wait3A_71 : memref<1x3x96xi32, #tpu.memory_space<hbm>> -> memref<3x96xi32, #tpu.memory_space<hbm>>
      %dma_wait3A_73 = arith.constant 0 : i32
      %dma_wait3A_74 = arith.constant 0 : i32
      %dma_wait3A_75 = tpu.memref_slice %arg3[%add3A, %dma_wait3A_73, %dma_wait3A_74] : memref<32x3x96xi32, #tpu.memory_space<hbm>> -> memref<1x3x96xi32, #tpu.memory_space<hbm>>
      %dma_wait3A_76 = tpu.memref_squeeze %dma_wait3A_75 : memref<1x3x96xi32, #tpu.memory_space<hbm>> -> memref<3x96xi32, #tpu.memory_space<hbm>>
      tpu.wait_dma2 semaphore(%run_scoped3A : memref<!tpu.dma_semaphore, #tpu.memory_space<semaphore_mem>>) src(%dma_wait3A_76 : memref<3x96xi32, #tpu.memory_space<hbm>>) dst(%arg5 : memref<3x96xi32, #tpu.memory_space<vmem>>)
      tpu.yield
    }) : () -> ()
    %dma_start3A = arith.constant 0 : i32
    %dma_start3A_1 = arith.constant 0 : i32
    %dma_start3A_2 = arith.constant 0 : i32
    %dma_start3A_3 = tpu.memref_slice %arg6[%dma_start3A_1, %dma_start3A_2] : memref<288x128xf32, #tpu.memory_space<vmem>> -> memref<96x128xf32, #tpu.memory_space<vmem>>
    %dma_start3A_4 = arith.constant 0 : i32
    %dma_start3A_5 = tpu.memref_slice %arg5[%dma_start3A, %dma_start3A_4] : memref<3x96xi32, #tpu.memory_space<vmem>> -> memref<1x96xi32, #tpu.memory_space<vmem>>
    %dma_start3A_6 = tpu.memref_squeeze %dma_start3A_5 : memref<1x96xi32, #tpu.memory_space<vmem>> -> memref<96xi32, #tpu.memory_space<vmem>>
    %dma_start3A_7 = arith.constant 0 : i32
    %dma_start3A_8 = arith.constant 0 : i32
    %dma_start3A_9 = tpu.memref_slice %arg2[%dma_start3A_7, %dma_start3A_8] : memref<2048x128xf32, #tpu.memory_space<hbm>> -> memref<2048x128xf32, #tpu.memory_space<hbm>>
    tpu.enqueue_indirect_dma source(%dma_start3A_9 : memref<2048x128xf32, #tpu.memory_space<hbm>>) target(%dma_start3A_3 : memref<96x128xf32, #tpu.memory_space<vmem>>) offsets(%dma_start3A_6 : memref<96xi32, #tpu.memory_space<vmem>>) semaphore(%arg7 : memref<!tpu.dma_semaphore, #tpu.memory_space<semaphore_mem>>)
    %dma_start3A_10 = arith.constant 1 : i32
    %dma_start3A_11 = arith.constant 96 : i32
    %dma_start3A_12 = arith.constant 0 : i32
    %dma_start3A_13 = tpu.memref_slice %arg6[%dma_start3A_11, %dma_start3A_12] : memref<288x128xf32, #tpu.memory_space<vmem>> -> memref<96x128xf32, #tpu.memory_space<vmem>>
    %dma_start3A_14 = arith.constant 0 : i32
    %dma_start3A_15 = tpu.memref_slice %arg5[%dma_start3A_10, %dma_start3A_14] : memref<3x96xi32, #tpu.memory_space<vmem>> -> memref<1x96xi32, #tpu.memory_space<vmem>>
    %dma_start3A_16 = tpu.memref_squeeze %dma_start3A_15 : memref<1x96xi32, #tpu.memory_space<vmem>> -> memref<96xi32, #tpu.memory_space<vmem>>
    %dma_start3A_17 = arith.constant 0 : i32
    %dma_start3A_18 = arith.constant 0 : i32
    %dma_start3A_19 = tpu.memref_slice %arg2[%dma_start3A_17, %dma_start3A_18] : memref<2048x128xf32, #tpu.memory_space<hbm>> -> memref<2048x128xf32, #tpu.memory_space<hbm>>
    tpu.enqueue_indirect_dma source(%dma_start3A_19 : memref<2048x128xf32, #tpu.memory_space<hbm>>) target(%dma_start3A_13 : memref<96x128xf32, #tpu.memory_space<vmem>>) offsets(%dma_start3A_16 : memref<96xi32, #tpu.memory_space<vmem>>) semaphore(%arg7 : memref<!tpu.dma_semaphore, #tpu.memory_space<semaphore_mem>>)
    %dma_start3A_20 = arith.constant 2 : i32
    %dma_start3A_21 = arith.constant 192 : i32
    %dma_start3A_22 = arith.constant 0 : i32
    %dma_start3A_23 = tpu.memref_slice %arg6[%dma_start3A_21, %dma_start3A_22] : memref<288x128xf32, #tpu.memory_space<vmem>> -> memref<96x128xf32, #tpu.memory_space<vmem>>
    %dma_start3A_24 = arith.constant 0 : i32
    %dma_start3A_25 = tpu.memref_slice %arg5[%dma_start3A_20, %dma_start3A_24] : memref<3x96xi32, #tpu.memory_space<vmem>> -> memref<1x96xi32, #tpu.memory_space<vmem>>
    %dma_start3A_26 = tpu.memref_squeeze %dma_start3A_25 : memref<1x96xi32, #tpu.memory_space<vmem>> -> memref<96xi32, #tpu.memory_space<vmem>>
    %dma_start3A_27 = arith.constant 0 : i32
    %dma_start3A_28 = arith.constant 0 : i32
    %dma_start3A_29 = tpu.memref_slice %arg2[%dma_start3A_27, %dma_start3A_28] : memref<2048x128xf32, #tpu.memory_space<hbm>> -> memref<2048x128xf32, #tpu.memory_space<hbm>>
    tpu.enqueue_indirect_dma source(%dma_start3A_29 : memref<2048x128xf32, #tpu.memory_space<hbm>>) target(%dma_start3A_23 : memref<96x128xf32, #tpu.memory_space<vmem>>) offsets(%dma_start3A_26 : memref<96xi32, #tpu.memory_space<vmem>>) semaphore(%arg7 : memref<!tpu.dma_semaphore, #tpu.memory_space<semaphore_mem>>)
    %dma_wait3A = arith.constant 0 : i32
    %dma_wait3A_30 = arith.constant 0 : i32
    %dma_wait3A_31 = arith.constant 0 : i32
    %dma_wait3A_32 = tpu.memref_slice %arg6[%dma_wait3A_30, %dma_wait3A_31] : memref<288x128xf32, #tpu.memory_space<vmem>> -> memref<96x128xf32, #tpu.memory_space<vmem>>
    %dma_wait3A_33 = arith.constant 0 : i32
    %dma_wait3A_34 = tpu.memref_slice %arg5[%dma_wait3A, %dma_wait3A_33] : memref<3x96xi32, #tpu.memory_space<vmem>> -> memref<1x96xi32, #tpu.memory_space<vmem>>
    %dma_wait3A_35 = tpu.memref_squeeze %dma_wait3A_34 : memref<1x96xi32, #tpu.memory_space<vmem>> -> memref<96xi32, #tpu.memory_space<vmem>>
    %dma_wait3A_36 = arith.constant 0 : i32
    %dma_wait3A_37 = arith.constant 0 : i32
    %dma_wait3A_38 = tpu.memref_slice %arg2[%dma_wait3A_36, %dma_wait3A_37] : memref<2048x128xf32, #tpu.memory_space<hbm>> -> memref<2048x128xf32, #tpu.memory_space<hbm>>
    tpu.wait_indirect_dma semaphore(%arg7 : memref<!tpu.dma_semaphore, #tpu.memory_space<semaphore_mem>>) src(%dma_wait3A_38 : memref<2048x128xf32, #tpu.memory_space<hbm>>) dst(%dma_wait3A_32 : memref<96x128xf32, #tpu.memory_space<vmem>>)
    %dma_wait3A_39 = arith.constant 1 : i32
    %dma_wait3A_40 = arith.constant 96 : i32
    %dma_wait3A_41 = arith.constant 0 : i32
    %dma_wait3A_42 = tpu.memref_slice %arg6[%dma_wait3A_40, %dma_wait3A_41] : memref<288x128xf32, #tpu.memory_space<vmem>> -> memref<96x128xf32, #tpu.memory_space<vmem>>
    %dma_wait3A_43 = arith.constant 0 : i32
    %dma_wait3A_44 = tpu.memref_slice %arg5[%dma_wait3A_39, %dma_wait3A_43] : memref<3x96xi32, #tpu.memory_space<vmem>> -> memref<1x96xi32, #tpu.memory_space<vmem>>
    %dma_wait3A_45 = tpu.memref_squeeze %dma_wait3A_44 : memref<1x96xi32, #tpu.memory_space<vmem>> -> memref<96xi32, #tpu.memory_space<vmem>>
    %dma_wait3A_46 = arith.constant 0 : i32
    %dma_wait3A_47 = arith.constant 0 : i32
    %dma_wait3A_48 = tpu.memref_slice %arg2[%dma_wait3A_46, %dma_wait3A_47] : memref<2048x128xf32, #tpu.memory_space<hbm>> -> memref<2048x128xf32, #tpu.memory_space<hbm>>
    tpu.wait_indirect_dma semaphore(%arg7 : memref<!tpu.dma_semaphore, #tpu.memory_space<semaphore_mem>>) src(%dma_wait3A_48 : memref<2048x128xf32, #tpu.memory_space<hbm>>) dst(%dma_wait3A_42 : memref<96x128xf32, #tpu.memory_space<vmem>>)
    %dma_wait3A_49 = arith.constant 2 : i32
    %dma_wait3A_50 = arith.constant 192 : i32
    %dma_wait3A_51 = arith.constant 0 : i32
    %dma_wait3A_52 = tpu.memref_slice %arg6[%dma_wait3A_50, %dma_wait3A_51] : memref<288x128xf32, #tpu.memory_space<vmem>> -> memref<96x128xf32, #tpu.memory_space<vmem>>
    %dma_wait3A_53 = arith.constant 0 : i32
    %dma_wait3A_54 = tpu.memref_slice %arg5[%dma_wait3A_49, %dma_wait3A_53] : memref<3x96xi32, #tpu.memory_space<vmem>> -> memref<1x96xi32, #tpu.memory_space<vmem>>
    %dma_wait3A_55 = tpu.memref_squeeze %dma_wait3A_54 : memref<1x96xi32, #tpu.memory_space<vmem>> -> memref<96xi32, #tpu.memory_space<vmem>>
    %dma_wait3A_56 = arith.constant 0 : i32
    %dma_wait3A_57 = arith.constant 0 : i32
    %dma_wait3A_58 = tpu.memref_slice %arg2[%dma_wait3A_56, %dma_wait3A_57] : memref<2048x128xf32, #tpu.memory_space<hbm>> -> memref<2048x128xf32, #tpu.memory_space<hbm>>
    tpu.wait_indirect_dma semaphore(%arg7 : memref<!tpu.dma_semaphore, #tpu.memory_space<semaphore_mem>>) src(%dma_wait3A_58 : memref<2048x128xf32, #tpu.memory_space<hbm>>) dst(%dma_wait3A_52 : memref<96x128xf32, #tpu.memory_space<vmem>>)
    %mul3A_59 = arith.constant 288 : i32
    %mul3A_60 = arith.muli %add3A, %mul3A_59 : i32
    "tpu.region"() ({
      %run_scoped3A = tpu.sem_alloc : memref<!tpu.dma_semaphore, #tpu.memory_space<semaphore_mem>>
      %dma_start3A_61 = arith.constant 0 : i32
      %dma_start3A_62 = tpu.memref_slice %arg4[%mul3A_60, %dma_start3A_61] : memref<9216x128xf32, #tpu.memory_space<hbm>> -> memref<288x128xf32, #tpu.memory_space<hbm>>
      %dma_start3A_63 = arith.constant 0 : i32
      %dma_start3A_64 = tpu.memref_slice %arg4[%mul3A_60, %dma_start3A_63] : memref<9216x128xf32, #tpu.memory_space<hbm>> -> memref<288x128xf32, #tpu.memory_space<hbm>>
      tpu.enqueue_dma source(%arg6 : memref<288x128xf32, #tpu.memory_space<vmem>>) target(%dma_start3A_64 : memref<288x128xf32, #tpu.memory_space<hbm>>) target_semaphore(%run_scoped3A : memref<!tpu.dma_semaphore, #tpu.memory_space<semaphore_mem>>)
      %dma_wait3A_65 = arith.constant 0 : i32
      %dma_wait3A_66 = tpu.memref_slice %arg4[%mul3A_60, %dma_wait3A_65] : memref<9216x128xf32, #tpu.memory_space<hbm>> -> memref<288x128xf32, #tpu.memory_space<hbm>>
      %dma_wait3A_67 = arith.constant 0 : i32
      %dma_wait3A_68 = tpu.memref_slice %arg4[%mul3A_60, %dma_wait3A_67] : memref<9216x128xf32, #tpu.memory_space<hbm>> -> memref<288x128xf32, #tpu.memory_space<hbm>>
      tpu.wait_dma2 semaphore(%run_scoped3A : memref<!tpu.dma_semaphore, #tpu.memory_space<semaphore_mem>>) src(%arg6 : memref<288x128xf32, #tpu.memory_space<vmem>>) dst(%dma_wait3A_68 : memref<288x128xf32, #tpu.memory_space<hbm>>)
      tpu.yield
    }) : () -> ()
    return
  }
}

module attributes {stable_mosaic.version = 14 : i64} {
  func.func @body(%arg0: i32, %arg1: memref<512x128xf32, #tpu.memory_space<vmem>>, %arg2: memref<2048x128xf32, #tpu.memory_space<vmem>>, %arg3: memref<1x1x512xi32, #tpu.memory_space<vmem>>, %arg4: memref<1x1xf32, #tpu.memory_space<smem>>, %arg5: memref<2048x128xf32, #tpu.memory_space<vmem>>, %arg6: memref<2048x1xf32, #tpu.memory_space<vmem>>, %arg7: memref<2048x512xf32, #tpu.memory_space<vmem>>, %arg8: memref<512x512xf32, #tpu.memory_space<vmem>>) attributes {dimension_semantics = [#tpu.dimension_semantics<arbitrary>], iteration_bounds = array<i64: 18>, scalar_prefetch = 0 : i64, scratch_operands = 4 : i64, tpu.core_type = #tpu.core_type<tc>, window_params = [{transform_indices = @transform_0, window_bounds = array<i64: 512, 128>}, {pipeline_mode = #tpu.pipeline_mode<synchronous>, transform_indices = @transform_1, window_bounds = array<i64: 2048, 128>}, {transform_indices = @transform_2, window_bounds = array<i64: 1, 1, 512>}, {transform_indices = @transform_3, window_bounds = array<i64: 1, 1>}]} {
    %eq3A = arith.constant 0 : i32
    %eq3A_0 = arith.cmpi eq, %arg0, %eq3A : i32
    %convert_element_type3A = arith.extui %eq3A_0 : i1 to i32
    %cond3A = arith.constant 0 : i32
    %cond3A_1 = arith.cmpi ne, %convert_element_type3A, %cond3A : i32
    scf.if %cond3A_1 {
      %get3A_2120 = arith.constant 0 : index
      %get3A_2121 = arith.constant 0 : index
      %get3A_2122 = vector.load %arg2[%get3A_2120, %get3A_2121] : memref<2048x128xf32, #tpu.memory_space<vmem>>, vector<2048x128xf32>
      %mul3A = arith.constant -2.000000e+00 : f32
      %mul3A_2123 = vector.broadcast %mul3A : f32 to vector<2048x128xf32>
      %mul3A_2124 = arith.mulf %get3A_2122, %mul3A_2123 : vector<2048x128xf32>
      %swap3A_2125 = arith.constant 0 : index
      %swap3A_2126 = arith.constant 0 : index
      %swap3A_2127 = vector.load %arg5[%swap3A_2125, %swap3A_2126] : memref<2048x128xf32, #tpu.memory_space<vmem>>, vector<2048x128xf32>
      tpu.vector_store %arg5[%swap3A_2125, %swap3A_2126], %mul3A_2124 {strides = array<i32>} : memref<2048x128xf32, #tpu.memory_space<vmem>>, vector<2048x128xf32>,
      %integer_pow3A_2128 = arith.mulf %get3A_2122, %get3A_2122 : vector<2048x128xf32>
      %reduce_sum3A_2129 = arith.constant dense<0.000000e+00> : vector<2048xf32>
      %reduce_sum3A_2130 = vector.multi_reduction <add>, %integer_pow3A_2128, %reduce_sum3A_2129 [1] : vector<2048x128xf32> to vector<2048xf32>
      %broadcast_in_dim3A_2131 = vector.shape_cast %reduce_sum3A_2130 : vector<2048xf32> to vector<2048x1xf32>
      %swap3A_2132 = arith.constant 0 : index
      %swap3A_2133 = arith.constant 0 : index
      %swap3A_2134 = vector.load %arg6[%swap3A_2132, %swap3A_2133] : memref<2048x1xf32, #tpu.memory_space<vmem>>, vector<2048x1xf32>
      tpu.vector_store %arg6[%swap3A_2132, %swap3A_2133], %broadcast_in_dim3A_2131 {strides = array<i32>} : memref<2048x1xf32, #tpu.memory_space<vmem>>, vector<2048x1xf32>,
      %iota3A_2135 = tpu.iota {dimensions = array<i32: 0>} : vector<512x512xi32>
      %iota3A_2136 = tpu.iota {dimensions = array<i32: 1>} : vector<512x512xi32>
      %eq3A_2137 = arith.cmpi eq, %iota3A_2135, %iota3A_2136 : vector<512x512xi32>
      %convert_element_type3A_2138 = arith.extui %eq3A_2137 : vector<512x512xi1> to vector<512x512xi32>
      %convert_element_type3A_2139 = arith.sitofp %convert_element_type3A_2138 : vector<512x512xi32> to vector<512x512xf32>
      %swap3A_2140 = arith.constant 0 : index
      %swap3A_2141 = arith.constant 0 : index
      %swap3A_2142 = vector.load %arg8[%swap3A_2140, %swap3A_2141] : memref<512x512xf32, #tpu.memory_space<vmem>>, vector<512x512xf32>
      tpu.vector_store %arg8[%swap3A_2140, %swap3A_2141], %convert_element_type3A_2139 {strides = array<i32>} : memref<512x512xf32, #tpu.memory_space<vmem>>, vector<512x512xf32>,
      %swap3A_2143 = arith.constant 0.000000e+00 : f32
      %swap3A_2144 = arith.constant 0 : index
      %swap3A_2145 = arith.constant 0 : index
      %swap3A_2146 = memref.load %arg4[%swap3A_2144, %swap3A_2145] : memref<1x1xf32, #tpu.memory_space<smem>>
      memref.store %swap3A_2143, %arg4[%swap3A_2144, %swap3A_2145] : memref<1x1xf32, #tpu.memory_space<smem>>
    } else {
    }
    %get3A = arith.constant 0 : index
    %get3A_2 = arith.constant 0 : index
    %get3A_3 = vector.load %arg1[%get3A, %get3A_2] : memref<512x128xf32, #tpu.memory_space<vmem>>, vector<512x128xf32>
    %integer_pow3A = arith.mulf %get3A_3, %get3A_3 : vector<512x128xf32>
    %reduce_sum3A = arith.constant dense<0.000000e+00> : vector<512xf32>
    %reduce_sum3A_4 = vector.multi_reduction <add>, %integer_pow3A, %reduce_sum3A [1] : vector<512x128xf32> to vector<512xf32>
    %broadcast_in_dim3A = vector.shape_cast %reduce_sum3A_4 : vector<512xf32> to vector<512x1xf32>
    %get3A_5 = arith.constant 0 : index
    %get3A_6 = arith.constant 0 : index
    %get3A_7 = vector.load %arg8[%get3A_5, %get3A_6] : memref<512x512xf32, #tpu.memory_space<vmem>>, vector<512x512xf32>
    %dot_general3A = arith.constant dense<0.000000e+00> : vector<1x512xf32>
    %dot_general3A_8 = tpu.matmul %broadcast_in_dim3A, %get3A_7, %dot_general3A {dimension_numbers = #tpu.dot_dimension_numbers<[0], [0], [1], [1], [0, 1, 1, 1], [], []>, precision = #tpu.contract_precision<fp32>, transpose_lhs_hint = false} : vector<512x1xf32>, vector<512x512xf32>, vector<1x512xf32> -> vector<1x512xf32>
    %get3A_9 = arith.constant 0 : index
    %get3A_10 = arith.constant 0 : index
    %get3A_11 = vector.load %arg5[%get3A_9, %get3A_10] : memref<2048x128xf32, #tpu.memory_space<vmem>>, vector<2048x128xf32>
    %dot_general3A_12 = arith.constant dense<0.000000e+00> : vector<2048x512xf32>
    %dot_general3A_13 = tpu.matmul %get3A_11, %get3A_3, %dot_general3A_12 {dimension_numbers = #tpu.dot_dimension_numbers<[1], [1], [0], [0], [0, 0, 1, 0], [], []>, transpose_lhs_hint = false} : vector<2048x128xf32>, vector<512x128xf32>, vector<2048x512xf32> -> vector<2048x512xf32>
    %swap3A = arith.constant 0 : index
    %swap3A_14 = arith.constant 0 : index
    %swap3A_15 = vector.load %arg7[%swap3A, %swap3A_14] : memref<2048x512xf32, #tpu.memory_space<vmem>>, vector<2048x512xf32>
    tpu.vector_store %arg7[%swap3A, %swap3A_14], %dot_general3A_13 {strides = array<i32>} : memref<2048x512xf32, #tpu.memory_space<vmem>>, vector<2048x512xf32>,
    %iota3A = tpu.iota {dimensions = array<i32: 0>} : vector<16x512xi32>
    %get3A_16 = arith.constant 0 : index
    %get3A_17 = arith.constant 0 : index
    %get3A_18 = vector.load %arg7[%get3A_16, %get3A_17] : memref<2048x512xf32, #tpu.memory_space<vmem>>, vector<16x512xf32>
    %add3A = vector.broadcast %dot_general3A_8 : vector<1x512xf32> to vector<16x512xf32>
    %add3A_19 = arith.addf %add3A, %get3A_18 : vector<16x512xf32>
    %get3A_20 = arith.constant 0 : index
    %get3A_21 = arith.constant 0 : index
    %get3A_22 = vector.load %arg6[%get3A_20, %get3A_21] : memref<2048x1xf32, #tpu.memory_space<vmem>>, vector<16x1xf32>
    %add3A_23 = vector.broadcast %get3A_22 : vector<16x1xf32> to vector<16x512xf32>
    %add3A_24 = arith.addf %add3A_19, %add3A_23 : vector<16x512xf32>
    %get3A_25 = arith.constant 16 : index
    %get3A_26 = arith.constant 0 : index
    %get3A_27 = vector.load %arg7[%get3A_25, %get3A_26] : memref<2048x512xf32, #tpu.memory_space<vmem>>, vector<16x512xf32>
    %add3A_28 = vector.broadcast %dot_general3A_8 : vector<1x512xf32> to vector<16x512xf32>
    %add3A_29 = arith.addf %add3A_28, %get3A_27 : vector<16x512xf32>
    %get3A_30 = arith.constant 16 : index
    %get3A_31 = arith.constant 0 : index
    %get3A_32 = vector.load %arg6[%get3A_30, %get3A_31] : memref<2048x1xf32, #tpu.memory_space<vmem>>, vector<16x1xf32>
    %add3A_33 = vector.broadcast %get3A_32 : vector<16x1xf32> to vector<16x512xf32>
    %add3A_34 = arith.addf %add3A_29, %add3A_33 : vector<16x512xf32>
    %lt3A = arith.cmpf olt, %add3A_34, %add3A_24 : vector<16x512xf32>
    %select_n3A = arith.select %lt3A, %add3A_34, %add3A_24 : vector<16x512xi1>, vector<16x512xf32>
    %add3A_35 = arith.constant 16 : i32
    %add3A_36 = vector.broadcast %add3A_35 : i32 to vector<16x512xi32>
    %add3A_37 = arith.addi %iota3A, %add3A_36 : vector<16x512xi32>
    %select_n3A_38 = arith.select %lt3A, %add3A_37, %iota3A : vector<16x512xi1>, vector<16x512xi32>
    %get3A_39 = arith.constant 32 : index
    %get3A_40 = arith.constant 0 : index
    %get3A_41 = vector.load %arg7[%get3A_39, %get3A_40] : memref<2048x512xf32, #tpu.memory_space<vmem>>, vector<16x512xf32>
    %add3A_42 = vector.broadcast %dot_general3A_8 : vector<1x512xf32> to vector<16x512xf32>
    %add3A_43 = arith.addf %add3A_42, %get3A_41 : vector<16x512xf32>
    %get3A_44 = arith.constant 32 : index
    %get3A_45 = arith.constant 0 : index
    %get3A_46 = vector.load %arg6[%get3A_44, %get3A_45] : memref<2048x1xf32, #tpu.memory_space<vmem>>, vector<16x1xf32>
    %add3A_47 = vector.broadcast %get3A_46 : vector<16x1xf32> to vector<16x512xf32>
    %add3A_48 = arith.addf %add3A_43, %add3A_47 : vector<16x512xf32>
    %lt3A_49 = arith.cmpf olt, %add3A_48, %select_n3A : vector<16x512xf32>
    %select_n3A_50 = arith.select %lt3A_49, %add3A_48, %select_n3A : vector<16x512xi1>, vector<16x512xf32>
    %add3A_51 = arith.constant 32 : i32
    %add3A_52 = vector.broadcast %add3A_51 : i32 to vector<16x512xi32>
    %add3A_53 = arith.addi %iota3A, %add3A_52 : vector<16x512xi32>
    %select_n3A_54 = arith.select %lt3A_49, %add3A_53, %select_n3A_38 : vector<16x512xi1>, vector<16x512xi32>
    %get3A_55 = arith.constant 48 : index
    %get3A_56 = arith.constant 0 : index
    %get3A_57 = vector.load %arg7[%get3A_55, %get3A_56] : memref<2048x512xf32, #tpu.memory_space<vmem>>, vector<16x512xf32>
    %add3A_58 = vector.broadcast %dot_general3A_8 : vector<1x512xf32> to vector<16x512xf32>
    %add3A_59 = arith.addf %add3A_58, %get3A_57 : vector<16x512xf32>
    %get3A_60 = arith.constant 48 : index
    %get3A_61 = arith.constant 0 : index
    %get3A_62 = vector.load %arg6[%get3A_60, %get3A_61] : memref<2048x1xf32, #tpu.memory_space<vmem>>, vector<16x1xf32>
    %add3A_63 = vector.broadcast %get3A_62 : vector<16x1xf32> to vector<16x512xf32>
    %add3A_64 = arith.addf %add3A_59, %add3A_63 : vector<16x512xf32>
    %lt3A_65 = arith.cmpf olt, %add3A_64, %select_n3A_50 : vector<16x512xf32>
    %select_n3A_66 = arith.select %lt3A_65, %add3A_64, %select_n3A_50 : vector<16x512xi1>, vector<16x512xf32>
    %add3A_67 = arith.constant 48 : i32
    %add3A_68 = vector.broadcast %add3A_67 : i32 to vector<16x512xi32>
    %add3A_69 = arith.addi %iota3A, %add3A_68 : vector<16x512xi32>
    %select_n3A_70 = arith.select %lt3A_65, %add3A_69, %select_n3A_54 : vector<16x512xi1>, vector<16x512xi32>
    %get3A_71 = arith.constant 64 : index
    %get3A_72 = arith.constant 0 : index
    %get3A_73 = vector.load %arg7[%get3A_71, %get3A_72] : memref<2048x512xf32, #tpu.memory_space<vmem>>, vector<16x512xf32>
    %add3A_74 = vector.broadcast %dot_general3A_8 : vector<1x512xf32> to vector<16x512xf32>
    %add3A_75 = arith.addf %add3A_74, %get3A_73 : vector<16x512xf32>
    %get3A_76 = arith.constant 64 : index
    %get3A_77 = arith.constant 0 : index
    %get3A_78 = vector.load %arg6[%get3A_76, %get3A_77] : memref<2048x1xf32, #tpu.memory_space<vmem>>, vector<16x1xf32>
    %add3A_79 = vector.broadcast %get3A_78 : vector<16x1xf32> to vector<16x512xf32>
    %add3A_80 = arith.addf %add3A_75, %add3A_79 : vector<16x512xf32>
    %lt3A_81 = arith.cmpf olt, %add3A_80, %select_n3A_66 : vector<16x512xf32>
    %select_n3A_82 = arith.select %lt3A_81, %add3A_80, %select_n3A_66 : vector<16x512xi1>, vector<16x512xf32>
    %add3A_83 = arith.constant 64 : i32
    %add3A_84 = vector.broadcast %add3A_83 : i32 to vector<16x512xi32>
    %add3A_85 = arith.addi %iota3A, %add3A_84 : vector<16x512xi32>
    %select_n3A_86 = arith.select %lt3A_81, %add3A_85, %select_n3A_70 : vector<16x512xi1>, vector<16x512xi32>
    %get3A_87 = arith.constant 80 : index
    %get3A_88 = arith.constant 0 : index
    %get3A_89 = vector.load %arg7[%get3A_87, %get3A_88] : memref<2048x512xf32, #tpu.memory_space<vmem>>, vector<16x512xf32>
    %add3A_90 = vector.broadcast %dot_general3A_8 : vector<1x512xf32> to vector<16x512xf32>
    %add3A_91 = arith.addf %add3A_90, %get3A_89 : vector<16x512xf32>
    %get3A_92 = arith.constant 80 : index
    %get3A_93 = arith.constant 0 : index
    %get3A_94 = vector.load %arg6[%get3A_92, %get3A_93] : memref<2048x1xf32, #tpu.memory_space<vmem>>, vector<16x1xf32>
    %add3A_95 = vector.broadcast %get3A_94 : vector<16x1xf32> to vector<16x512xf32>
    %add3A_96 = arith.addf %add3A_91, %add3A_95 : vector<16x512xf32>
    %lt3A_97 = arith.cmpf olt, %add3A_96, %select_n3A_82 : vector<16x512xf32>
    %select_n3A_98 = arith.select %lt3A_97, %add3A_96, %select_n3A_82 : vector<16x512xi1>, vector<16x512xf32>
    %add3A_99 = arith.constant 80 : i32
    %add3A_100 = vector.broadcast %add3A_99 : i32 to vector<16x512xi32>
    %add3A_101 = arith.addi %iota3A, %add3A_100 : vector<16x512xi32>
    %select_n3A_102 = arith.select %lt3A_97, %add3A_101, %select_n3A_86 : vector<16x512xi1>, vector<16x512xi32>
    %get3A_103 = arith.constant 96 : index
    %get3A_104 = arith.constant 0 : index
    %get3A_105 = vector.load %arg7[%get3A_103, %get3A_104] : memref<2048x512xf32, #tpu.memory_space<vmem>>, vector<16x512xf32>
    %add3A_106 = vector.broadcast %dot_general3A_8 : vector<1x512xf32> to vector<16x512xf32>
    %add3A_107 = arith.addf %add3A_106, %get3A_105 : vector<16x512xf32>
    %get3A_108 = arith.constant 96 : index
    %get3A_109 = arith.constant 0 : index
    %get3A_110 = vector.load %arg6[%get3A_108, %get3A_109] : memref<2048x1xf32, #tpu.memory_space<vmem>>, vector<16x1xf32>
    %add3A_111 = vector.broadcast %get3A_110 : vector<16x1xf32> to vector<16x512xf32>
    %add3A_112 = arith.addf %add3A_107, %add3A_111 : vector<16x512xf32>
    %lt3A_113 = arith.cmpf olt, %add3A_112, %select_n3A_98 : vector<16x512xf32>
    %select_n3A_114 = arith.select %lt3A_113, %add3A_112, %select_n3A_98 : vector<16x512xi1>, vector<16x512xf32>
    %add3A_115 = arith.constant 96 : i32
    %add3A_116 = vector.broadcast %add3A_115 : i32 to vector<16x512xi32>
    %add3A_117 = arith.addi %iota3A, %add3A_116 : vector<16x512xi32>
    %select_n3A_118 = arith.select %lt3A_113, %add3A_117, %select_n3A_102 : vector<16x512xi1>, vector<16x512xi32>
    %get3A_119 = arith.constant 112 : index
    %get3A_120 = arith.constant 0 : index
    %get3A_121 = vector.load %arg7[%get3A_119, %get3A_120] : memref<2048x512xf32, #tpu.memory_space<vmem>>, vector<16x512xf32>
    %add3A_122 = vector.broadcast %dot_general3A_8 : vector<1x512xf32> to vector<16x512xf32>
    %add3A_123 = arith.addf %add3A_122, %get3A_121 : vector<16x512xf32>
    %get3A_124 = arith.constant 112 : index
    %get3A_125 = arith.constant 0 : index
    %get3A_126 = vector.load %arg6[%get3A_124, %get3A_125] : memref<2048x1xf32, #tpu.memory_space<vmem>>, vector<16x1xf32>
    %add3A_127 = vector.broadcast %get3A_126 : vector<16x1xf32> to vector<16x512xf32>
    %add3A_128 = arith.addf %add3A_123, %add3A_127 : vector<16x512xf32>
    %lt3A_129 = arith.cmpf olt, %add3A_128, %select_n3A_114 : vector<16x512xf32>
    %select_n3A_130 = arith.select %lt3A_129, %add3A_128, %select_n3A_114 : vector<16x512xi1>, vector<16x512xf32>
    %add3A_131 = arith.constant 112 : i32
    %add3A_132 = vector.broadcast %add3A_131 : i32 to vector<16x512xi32>
    %add3A_133 = arith.addi %iota3A, %add3A_132 : vector<16x512xi32>
    %select_n3A_134 = arith.select %lt3A_129, %add3A_133, %select_n3A_118 : vector<16x512xi1>, vector<16x512xi32>
    %get3A_135 = arith.constant 128 : index
    %get3A_136 = arith.constant 0 : index
    %get3A_137 = vector.load %arg7[%get3A_135, %get3A_136] : memref<2048x512xf32, #tpu.memory_space<vmem>>, vector<16x512xf32>
    %add3A_138 = vector.broadcast %dot_general3A_8 : vector<1x512xf32> to vector<16x512xf32>
    %add3A_139 = arith.addf %add3A_138, %get3A_137 : vector<16x512xf32>
    %get3A_140 = arith.constant 128 : index
    %get3A_141 = arith.constant 0 : index
    %get3A_142 = vector.load %arg6[%get3A_140, %get3A_141] : memref<2048x1xf32, #tpu.memory_space<vmem>>, vector<16x1xf32>
    %add3A_143 = vector.broadcast %get3A_142 : vector<16x1xf32> to vector<16x512xf32>
    %add3A_144 = arith.addf %add3A_139, %add3A_143 : vector<16x512xf32>
    %lt3A_145 = arith.cmpf olt, %add3A_144, %select_n3A_130 : vector<16x512xf32>
    %select_n3A_146 = arith.select %lt3A_145, %add3A_144, %select_n3A_130 : vector<16x512xi1>, vector<16x512xf32>
    %add3A_147 = arith.constant 128 : i32
    %add3A_148 = vector.broadcast %add3A_147 : i32 to vector<16x512xi32>
    %add3A_149 = arith.addi %iota3A, %add3A_148 : vector<16x512xi32>
    %select_n3A_150 = arith.select %lt3A_145, %add3A_149, %select_n3A_134 : vector<16x512xi1>, vector<16x512xi32>
    %get3A_151 = arith.constant 144 : index
    %get3A_152 = arith.constant 0 : index
    %get3A_153 = vector.load %arg7[%get3A_151, %get3A_152] : memref<2048x512xf32, #tpu.memory_space<vmem>>, vector<16x512xf32>
    %add3A_154 = vector.broadcast %dot_general3A_8 : vector<1x512xf32> to vector<16x512xf32>
    %add3A_155 = arith.addf %add3A_154, %get3A_153 : vector<16x512xf32>
    %get3A_156 = arith.constant 144 : index
    %get3A_157 = arith.constant 0 : index
    %get3A_158 = vector.load %arg6[%get3A_156, %get3A_157] : memref<2048x1xf32, #tpu.memory_space<vmem>>, vector<16x1xf32>
    %add3A_159 = vector.broadcast %get3A_158 : vector<16x1xf32> to vector<16x512xf32>
    %add3A_160 = arith.addf %add3A_155, %add3A_159 : vector<16x512xf32>
    %lt3A_161 = arith.cmpf olt, %add3A_160, %select_n3A_146 : vector<16x512xf32>
    %select_n3A_162 = arith.select %lt3A_161, %add3A_160, %select_n3A_146 : vector<16x512xi1>, vector<16x512xf32>
    %add3A_163 = arith.constant 144 : i32
    %add3A_164 = vector.broadcast %add3A_163 : i32 to vector<16x512xi32>
    %add3A_165 = arith.addi %iota3A, %add3A_164 : vector<16x512xi32>
    %select_n3A_166 = arith.select %lt3A_161, %add3A_165, %select_n3A_150 : vector<16x512xi1>, vector<16x512xi32>
    %get3A_167 = arith.constant 160 : index
    %get3A_168 = arith.constant 0 : index
    %get3A_169 = vector.load %arg7[%get3A_167, %get3A_168] : memref<2048x512xf32, #tpu.memory_space<vmem>>, vector<16x512xf32>
    %add3A_170 = vector.broadcast %dot_general3A_8 : vector<1x512xf32> to vector<16x512xf32>
    %add3A_171 = arith.addf %add3A_170, %get3A_169 : vector<16x512xf32>
    %get3A_172 = arith.constant 160 : index
    %get3A_173 = arith.constant 0 : index
    %get3A_174 = vector.load %arg6[%get3A_172, %get3A_173] : memref<2048x1xf32, #tpu.memory_space<vmem>>, vector<16x1xf32>
    %add3A_175 = vector.broadcast %get3A_174 : vector<16x1xf32> to vector<16x512xf32>
    %add3A_176 = arith.addf %add3A_171, %add3A_175 : vector<16x512xf32>
    %lt3A_177 = arith.cmpf olt, %add3A_176, %select_n3A_162 : vector<16x512xf32>
    %select_n3A_178 = arith.select %lt3A_177, %add3A_176, %select_n3A_162 : vector<16x512xi1>, vector<16x512xf32>
    %add3A_179 = arith.constant 160 : i32
    %add3A_180 = vector.broadcast %add3A_179 : i32 to vector<16x512xi32>
    %add3A_181 = arith.addi %iota3A, %add3A_180 : vector<16x512xi32>
    %select_n3A_182 = arith.select %lt3A_177, %add3A_181, %select_n3A_166 : vector<16x512xi1>, vector<16x512xi32>
    %get3A_183 = arith.constant 176 : index
    %get3A_184 = arith.constant 0 : index
    %get3A_185 = vector.load %arg7[%get3A_183, %get3A_184] : memref<2048x512xf32, #tpu.memory_space<vmem>>, vector<16x512xf32>
    %add3A_186 = vector.broadcast %dot_general3A_8 : vector<1x512xf32> to vector<16x512xf32>
    %add3A_187 = arith.addf %add3A_186, %get3A_185 : vector<16x512xf32>
    %get3A_188 = arith.constant 176 : index
    %get3A_189 = arith.constant 0 : index
    %get3A_190 = vector.load %arg6[%get3A_188, %get3A_189] : memref<2048x1xf32, #tpu.memory_space<vmem>>, vector<16x1xf32>
    %add3A_191 = vector.broadcast %get3A_190 : vector<16x1xf32> to vector<16x512xf32>
    %add3A_192 = arith.addf %add3A_187, %add3A_191 : vector<16x512xf32>
    %lt3A_193 = arith.cmpf olt, %add3A_192, %select_n3A_178 : vector<16x512xf32>
    %select_n3A_194 = arith.select %lt3A_193, %add3A_192, %select_n3A_178 : vector<16x512xi1>, vector<16x512xf32>
    %add3A_195 = arith.constant 176 : i32
    %add3A_196 = vector.broadcast %add3A_195 : i32 to vector<16x512xi32>
    %add3A_197 = arith.addi %iota3A, %add3A_196 : vector<16x512xi32>
    %select_n3A_198 = arith.select %lt3A_193, %add3A_197, %select_n3A_182 : vector<16x512xi1>, vector<16x512xi32>
    %get3A_199 = arith.constant 192 : index
    %get3A_200 = arith.constant 0 : index
    %get3A_201 = vector.load %arg7[%get3A_199, %get3A_200] : memref<2048x512xf32, #tpu.memory_space<vmem>>, vector<16x512xf32>
    %add3A_202 = vector.broadcast %dot_general3A_8 : vector<1x512xf32> to vector<16x512xf32>
    %add3A_203 = arith.addf %add3A_202, %get3A_201 : vector<16x512xf32>
    %get3A_204 = arith.constant 192 : index
    %get3A_205 = arith.constant 0 : index
    %get3A_206 = vector.load %arg6[%get3A_204, %get3A_205] : memref<2048x1xf32, #tpu.memory_space<vmem>>, vector<16x1xf32>
    %add3A_207 = vector.broadcast %get3A_206 : vector<16x1xf32> to vector<16x512xf32>
    %add3A_208 = arith.addf %add3A_203, %add3A_207 : vector<16x512xf32>
    %lt3A_209 = arith.cmpf olt, %add3A_208, %select_n3A_194 : vector<16x512xf32>
    %select_n3A_210 = arith.select %lt3A_209, %add3A_208, %select_n3A_194 : vector<16x512xi1>, vector<16x512xf32>
    %add3A_211 = arith.constant 192 : i32
    %add3A_212 = vector.broadcast %add3A_211 : i32 to vector<16x512xi32>
    %add3A_213 = arith.addi %iota3A, %add3A_212 : vector<16x512xi32>
    %select_n3A_214 = arith.select %lt3A_209, %add3A_213, %select_n3A_198 : vector<16x512xi1>, vector<16x512xi32>
    %get3A_215 = arith.constant 208 : index
    %get3A_216 = arith.constant 0 : index
    %get3A_217 = vector.load %arg7[%get3A_215, %get3A_216] : memref<2048x512xf32, #tpu.memory_space<vmem>>, vector<16x512xf32>
    %add3A_218 = vector.broadcast %dot_general3A_8 : vector<1x512xf32> to vector<16x512xf32>
    %add3A_219 = arith.addf %add3A_218, %get3A_217 : vector<16x512xf32>
    %get3A_220 = arith.constant 208 : index
    %get3A_221 = arith.constant 0 : index
    %get3A_222 = vector.load %arg6[%get3A_220, %get3A_221] : memref<2048x1xf32, #tpu.memory_space<vmem>>, vector<16x1xf32>
    %add3A_223 = vector.broadcast %get3A_222 : vector<16x1xf32> to vector<16x512xf32>
    %add3A_224 = arith.addf %add3A_219, %add3A_223 : vector<16x512xf32>
    %lt3A_225 = arith.cmpf olt, %add3A_224, %select_n3A_210 : vector<16x512xf32>
    %select_n3A_226 = arith.select %lt3A_225, %add3A_224, %select_n3A_210 : vector<16x512xi1>, vector<16x512xf32>
    %add3A_227 = arith.constant 208 : i32
    %add3A_228 = vector.broadcast %add3A_227 : i32 to vector<16x512xi32>
    %add3A_229 = arith.addi %iota3A, %add3A_228 : vector<16x512xi32>
    %select_n3A_230 = arith.select %lt3A_225, %add3A_229, %select_n3A_214 : vector<16x512xi1>, vector<16x512xi32>
    %get3A_231 = arith.constant 224 : index
    %get3A_232 = arith.constant 0 : index
    %get3A_233 = vector.load %arg7[%get3A_231, %get3A_232] : memref<2048x512xf32, #tpu.memory_space<vmem>>, vector<16x512xf32>
    %add3A_234 = vector.broadcast %dot_general3A_8 : vector<1x512xf32> to vector<16x512xf32>
    %add3A_235 = arith.addf %add3A_234, %get3A_233 : vector<16x512xf32>
    %get3A_236 = arith.constant 224 : index
    %get3A_237 = arith.constant 0 : index
    %get3A_238 = vector.load %arg6[%get3A_236, %get3A_237] : memref<2048x1xf32, #tpu.memory_space<vmem>>, vector<16x1xf32>
    %add3A_239 = vector.broadcast %get3A_238 : vector<16x1xf32> to vector<16x512xf32>
    %add3A_240 = arith.addf %add3A_235, %add3A_239 : vector<16x512xf32>
    %lt3A_241 = arith.cmpf olt, %add3A_240, %select_n3A_226 : vector<16x512xf32>
    %select_n3A_242 = arith.select %lt3A_241, %add3A_240, %select_n3A_226 : vector<16x512xi1>, vector<16x512xf32>
    %add3A_243 = arith.constant 224 : i32
    %add3A_244 = vector.broadcast %add3A_243 : i32 to vector<16x512xi32>
    %add3A_245 = arith.addi %iota3A, %add3A_244 : vector<16x512xi32>
    %select_n3A_246 = arith.select %lt3A_241, %add3A_245, %select_n3A_230 : vector<16x512xi1>, vector<16x512xi32>
    %get3A_247 = arith.constant 240 : index
    %get3A_248 = arith.constant 0 : index
    %get3A_249 = vector.load %arg7[%get3A_247, %get3A_248] : memref<2048x512xf32, #tpu.memory_space<vmem>>, vector<16x512xf32>
    %add3A_250 = vector.broadcast %dot_general3A_8 : vector<1x512xf32> to vector<16x512xf32>
    %add3A_251 = arith.addf %add3A_250, %get3A_249 : vector<16x512xf32>
    %get3A_252 = arith.constant 240 : index
    %get3A_253 = arith.constant 0 : index
    %get3A_254 = vector.load %arg6[%get3A_252, %get3A_253] : memref<2048x1xf32, #tpu.memory_space<vmem>>, vector<16x1xf32>
    %add3A_255 = vector.broadcast %get3A_254 : vector<16x1xf32> to vector<16x512xf32>
    %add3A_256 = arith.addf %add3A_251, %add3A_255 : vector<16x512xf32>
    %lt3A_257 = arith.cmpf olt, %add3A_256, %select_n3A_242 : vector<16x512xf32>
    %select_n3A_258 = arith.select %lt3A_257, %add3A_256, %select_n3A_242 : vector<16x512xi1>, vector<16x512xf32>
    %add3A_259 = arith.constant 240 : i32
    %add3A_260 = vector.broadcast %add3A_259 : i32 to vector<16x512xi32>
    %add3A_261 = arith.addi %iota3A, %add3A_260 : vector<16x512xi32>
    %select_n3A_262 = arith.select %lt3A_257, %add3A_261, %select_n3A_246 : vector<16x512xi1>, vector<16x512xi32>
    %get3A_263 = arith.constant 256 : index
    %get3A_264 = arith.constant 0 : index
    %get3A_265 = vector.load %arg7[%get3A_263, %get3A_264] : memref<2048x512xf32, #tpu.memory_space<vmem>>, vector<16x512xf32>
    %add3A_266 = vector.broadcast %dot_general3A_8 : vector<1x512xf32> to vector<16x512xf32>
    %add3A_267 = arith.addf %add3A_266, %get3A_265 : vector<16x512xf32>
    %get3A_268 = arith.constant 256 : index
    %get3A_269 = arith.constant 0 : index
    %get3A_270 = vector.load %arg6[%get3A_268, %get3A_269] : memref<2048x1xf32, #tpu.memory_space<vmem>>, vector<16x1xf32>
    %add3A_271 = vector.broadcast %get3A_270 : vector<16x1xf32> to vector<16x512xf32>
    %add3A_272 = arith.addf %add3A_267, %add3A_271 : vector<16x512xf32>
    %lt3A_273 = arith.cmpf olt, %add3A_272, %select_n3A_258 : vector<16x512xf32>
    %select_n3A_274 = arith.select %lt3A_273, %add3A_272, %select_n3A_258 : vector<16x512xi1>, vector<16x512xf32>
    %add3A_275 = arith.constant 256 : i32
    %add3A_276 = vector.broadcast %add3A_275 : i32 to vector<16x512xi32>
    %add3A_277 = arith.addi %iota3A, %add3A_276 : vector<16x512xi32>
    %select_n3A_278 = arith.select %lt3A_273, %add3A_277, %select_n3A_262 : vector<16x512xi1>, vector<16x512xi32>
    %get3A_279 = arith.constant 272 : index
    %get3A_280 = arith.constant 0 : index
    %get3A_281 = vector.load %arg7[%get3A_279, %get3A_280] : memref<2048x512xf32, #tpu.memory_space<vmem>>, vector<16x512xf32>
    %add3A_282 = vector.broadcast %dot_general3A_8 : vector<1x512xf32> to vector<16x512xf32>
    %add3A_283 = arith.addf %add3A_282, %get3A_281 : vector<16x512xf32>
    %get3A_284 = arith.constant 272 : index
    %get3A_285 = arith.constant 0 : index
    %get3A_286 = vector.load %arg6[%get3A_284, %get3A_285] : memref<2048x1xf32, #tpu.memory_space<vmem>>, vector<16x1xf32>
    %add3A_287 = vector.broadcast %get3A_286 : vector<16x1xf32> to vector<16x512xf32>
    %add3A_288 = arith.addf %add3A_283, %add3A_287 : vector<16x512xf32>
    %lt3A_289 = arith.cmpf olt, %add3A_288, %select_n3A_274 : vector<16x512xf32>
    %select_n3A_290 = arith.select %lt3A_289, %add3A_288, %select_n3A_274 : vector<16x512xi1>, vector<16x512xf32>
    %add3A_291 = arith.constant 272 : i32
    %add3A_292 = vector.broadcast %add3A_291 : i32 to vector<16x512xi32>
    %add3A_293 = arith.addi %iota3A, %add3A_292 : vector<16x512xi32>
    %select_n3A_294 = arith.select %lt3A_289, %add3A_293, %select_n3A_278 : vector<16x512xi1>, vector<16x512xi32>
    %get3A_295 = arith.constant 288 : index
    %get3A_296 = arith.constant 0 : index
    %get3A_297 = vector.load %arg7[%get3A_295, %get3A_296] : memref<2048x512xf32, #tpu.memory_space<vmem>>, vector<16x512xf32>
    %add3A_298 = vector.broadcast %dot_general3A_8 : vector<1x512xf32> to vector<16x512xf32>
    %add3A_299 = arith.addf %add3A_298, %get3A_297 : vector<16x512xf32>
    %get3A_300 = arith.constant 288 : index
    %get3A_301 = arith.constant 0 : index
    %get3A_302 = vector.load %arg6[%get3A_300, %get3A_301] : memref<2048x1xf32, #tpu.memory_space<vmem>>, vector<16x1xf32>
    %add3A_303 = vector.broadcast %get3A_302 : vector<16x1xf32> to vector<16x512xf32>
    %add3A_304 = arith.addf %add3A_299, %add3A_303 : vector<16x512xf32>
    %lt3A_305 = arith.cmpf olt, %add3A_304, %select_n3A_290 : vector<16x512xf32>
    %select_n3A_306 = arith.select %lt3A_305, %add3A_304, %select_n3A_290 : vector<16x512xi1>, vector<16x512xf32>
    %add3A_307 = arith.constant 288 : i32
    %add3A_308 = vector.broadcast %add3A_307 : i32 to vector<16x512xi32>
    %add3A_309 = arith.addi %iota3A, %add3A_308 : vector<16x512xi32>
    %select_n3A_310 = arith.select %lt3A_305, %add3A_309, %select_n3A_294 : vector<16x512xi1>, vector<16x512xi32>
    %get3A_311 = arith.constant 304 : index
    %get3A_312 = arith.constant 0 : index
    %get3A_313 = vector.load %arg7[%get3A_311, %get3A_312] : memref<2048x512xf32, #tpu.memory_space<vmem>>, vector<16x512xf32>
    %add3A_314 = vector.broadcast %dot_general3A_8 : vector<1x512xf32> to vector<16x512xf32>
    %add3A_315 = arith.addf %add3A_314, %get3A_313 : vector<16x512xf32>
    %get3A_316 = arith.constant 304 : index
    %get3A_317 = arith.constant 0 : index
    %get3A_318 = vector.load %arg6[%get3A_316, %get3A_317] : memref<2048x1xf32, #tpu.memory_space<vmem>>, vector<16x1xf32>
    %add3A_319 = vector.broadcast %get3A_318 : vector<16x1xf32> to vector<16x512xf32>
    %add3A_320 = arith.addf %add3A_315, %add3A_319 : vector<16x512xf32>
    %lt3A_321 = arith.cmpf olt, %add3A_320, %select_n3A_306 : vector<16x512xf32>
    %select_n3A_322 = arith.select %lt3A_321, %add3A_320, %select_n3A_306 : vector<16x512xi1>, vector<16x512xf32>
    %add3A_323 = arith.constant 304 : i32
    %add3A_324 = vector.broadcast %add3A_323 : i32 to vector<16x512xi32>
    %add3A_325 = arith.addi %iota3A, %add3A_324 : vector<16x512xi32>
    %select_n3A_326 = arith.select %lt3A_321, %add3A_325, %select_n3A_310 : vector<16x512xi1>, vector<16x512xi32>
    %get3A_327 = arith.constant 320 : index
    %get3A_328 = arith.constant 0 : index
    %get3A_329 = vector.load %arg7[%get3A_327, %get3A_328] : memref<2048x512xf32, #tpu.memory_space<vmem>>, vector<16x512xf32>
    %add3A_330 = vector.broadcast %dot_general3A_8 : vector<1x512xf32> to vector<16x512xf32>
    %add3A_331 = arith.addf %add3A_330, %get3A_329 : vector<16x512xf32>
    %get3A_332 = arith.constant 320 : index
    %get3A_333 = arith.constant 0 : index
    %get3A_334 = vector.load %arg6[%get3A_332, %get3A_333] : memref<2048x1xf32, #tpu.memory_space<vmem>>, vector<16x1xf32>
    %add3A_335 = vector.broadcast %get3A_334 : vector<16x1xf32> to vector<16x512xf32>
    %add3A_336 = arith.addf %add3A_331, %add3A_335 : vector<16x512xf32>
    %lt3A_337 = arith.cmpf olt, %add3A_336, %select_n3A_322 : vector<16x512xf32>
    %select_n3A_338 = arith.select %lt3A_337, %add3A_336, %select_n3A_322 : vector<16x512xi1>, vector<16x512xf32>
    %add3A_339 = arith.constant 320 : i32
    %add3A_340 = vector.broadcast %add3A_339 : i32 to vector<16x512xi32>
    %add3A_341 = arith.addi %iota3A, %add3A_340 : vector<16x512xi32>
    %select_n3A_342 = arith.select %lt3A_337, %add3A_341, %select_n3A_326 : vector<16x512xi1>, vector<16x512xi32>
    %get3A_343 = arith.constant 336 : index
    %get3A_344 = arith.constant 0 : index
    %get3A_345 = vector.load %arg7[%get3A_343, %get3A_344] : memref<2048x512xf32, #tpu.memory_space<vmem>>, vector<16x512xf32>
    %add3A_346 = vector.broadcast %dot_general3A_8 : vector<1x512xf32> to vector<16x512xf32>
    %add3A_347 = arith.addf %add3A_346, %get3A_345 : vector<16x512xf32>
    %get3A_348 = arith.constant 336 : index
    %get3A_349 = arith.constant 0 : index
    %get3A_350 = vector.load %arg6[%get3A_348, %get3A_349] : memref<2048x1xf32, #tpu.memory_space<vmem>>, vector<16x1xf32>
    %add3A_351 = vector.broadcast %get3A_350 : vector<16x1xf32> to vector<16x512xf32>
    %add3A_352 = arith.addf %add3A_347, %add3A_351 : vector<16x512xf32>
    %lt3A_353 = arith.cmpf olt, %add3A_352, %select_n3A_338 : vector<16x512xf32>
    %select_n3A_354 = arith.select %lt3A_353, %add3A_352, %select_n3A_338 : vector<16x512xi1>, vector<16x512xf32>
    %add3A_355 = arith.constant 336 : i32
    %add3A_356 = vector.broadcast %add3A_355 : i32 to vector<16x512xi32>
    %add3A_357 = arith.addi %iota3A, %add3A_356 : vector<16x512xi32>
    %select_n3A_358 = arith.select %lt3A_353, %add3A_357, %select_n3A_342 : vector<16x512xi1>, vector<16x512xi32>
    %get3A_359 = arith.constant 352 : index
    %get3A_360 = arith.constant 0 : index
    %get3A_361 = vector.load %arg7[%get3A_359, %get3A_360] : memref<2048x512xf32, #tpu.memory_space<vmem>>, vector<16x512xf32>
    %add3A_362 = vector.broadcast %dot_general3A_8 : vector<1x512xf32> to vector<16x512xf32>
    %add3A_363 = arith.addf %add3A_362, %get3A_361 : vector<16x512xf32>
    %get3A_364 = arith.constant 352 : index
    %get3A_365 = arith.constant 0 : index
    %get3A_366 = vector.load %arg6[%get3A_364, %get3A_365] : memref<2048x1xf32, #tpu.memory_space<vmem>>, vector<16x1xf32>
    %add3A_367 = vector.broadcast %get3A_366 : vector<16x1xf32> to vector<16x512xf32>
    %add3A_368 = arith.addf %add3A_363, %add3A_367 : vector<16x512xf32>
    %lt3A_369 = arith.cmpf olt, %add3A_368, %select_n3A_354 : vector<16x512xf32>
    %select_n3A_370 = arith.select %lt3A_369, %add3A_368, %select_n3A_354 : vector<16x512xi1>, vector<16x512xf32>
    %add3A_371 = arith.constant 352 : i32
    %add3A_372 = vector.broadcast %add3A_371 : i32 to vector<16x512xi32>
    %add3A_373 = arith.addi %iota3A, %add3A_372 : vector<16x512xi32>
    %select_n3A_374 = arith.select %lt3A_369, %add3A_373, %select_n3A_358 : vector<16x512xi1>, vector<16x512xi32>
    %get3A_375 = arith.constant 368 : index
    %get3A_376 = arith.constant 0 : index
    %get3A_377 = vector.load %arg7[%get3A_375, %get3A_376] : memref<2048x512xf32, #tpu.memory_space<vmem>>, vector<16x512xf32>
    %add3A_378 = vector.broadcast %dot_general3A_8 : vector<1x512xf32> to vector<16x512xf32>
    %add3A_379 = arith.addf %add3A_378, %get3A_377 : vector<16x512xf32>
    %get3A_380 = arith.constant 368 : index
    %get3A_381 = arith.constant 0 : index
    %get3A_382 = vector.load %arg6[%get3A_380, %get3A_381] : memref<2048x1xf32, #tpu.memory_space<vmem>>, vector<16x1xf32>
    %add3A_383 = vector.broadcast %get3A_382 : vector<16x1xf32> to vector<16x512xf32>
    %add3A_384 = arith.addf %add3A_379, %add3A_383 : vector<16x512xf32>
    %lt3A_385 = arith.cmpf olt, %add3A_384, %select_n3A_370 : vector<16x512xf32>
    %select_n3A_386 = arith.select %lt3A_385, %add3A_384, %select_n3A_370 : vector<16x512xi1>, vector<16x512xf32>
    %add3A_387 = arith.constant 368 : i32
    %add3A_388 = vector.broadcast %add3A_387 : i32 to vector<16x512xi32>
    %add3A_389 = arith.addi %iota3A, %add3A_388 : vector<16x512xi32>
    %select_n3A_390 = arith.select %lt3A_385, %add3A_389, %select_n3A_374 : vector<16x512xi1>, vector<16x512xi32>
    %get3A_391 = arith.constant 384 : index
    %get3A_392 = arith.constant 0 : index
    %get3A_393 = vector.load %arg7[%get3A_391, %get3A_392] : memref<2048x512xf32, #tpu.memory_space<vmem>>, vector<16x512xf32>
    %add3A_394 = vector.broadcast %dot_general3A_8 : vector<1x512xf32> to vector<16x512xf32>
    %add3A_395 = arith.addf %add3A_394, %get3A_393 : vector<16x512xf32>
    %get3A_396 = arith.constant 384 : index
    %get3A_397 = arith.constant 0 : index
    %get3A_398 = vector.load %arg6[%get3A_396, %get3A_397] : memref<2048x1xf32, #tpu.memory_space<vmem>>, vector<16x1xf32>
    %add3A_399 = vector.broadcast %get3A_398 : vector<16x1xf32> to vector<16x512xf32>
    %add3A_400 = arith.addf %add3A_395, %add3A_399 : vector<16x512xf32>
    %lt3A_401 = arith.cmpf olt, %add3A_400, %select_n3A_386 : vector<16x512xf32>
    %select_n3A_402 = arith.select %lt3A_401, %add3A_400, %select_n3A_386 : vector<16x512xi1>, vector<16x512xf32>
    %add3A_403 = arith.constant 384 : i32
    %add3A_404 = vector.broadcast %add3A_403 : i32 to vector<16x512xi32>
    %add3A_405 = arith.addi %iota3A, %add3A_404 : vector<16x512xi32>
    %select_n3A_406 = arith.select %lt3A_401, %add3A_405, %select_n3A_390 : vector<16x512xi1>, vector<16x512xi32>
    %get3A_407 = arith.constant 400 : index
    %get3A_408 = arith.constant 0 : index
    %get3A_409 = vector.load %arg7[%get3A_407, %get3A_408] : memref<2048x512xf32, #tpu.memory_space<vmem>>, vector<16x512xf32>
    %add3A_410 = vector.broadcast %dot_general3A_8 : vector<1x512xf32> to vector<16x512xf32>
    %add3A_411 = arith.addf %add3A_410, %get3A_409 : vector<16x512xf32>
    %get3A_412 = arith.constant 400 : index
    %get3A_413 = arith.constant 0 : index
    %get3A_414 = vector.load %arg6[%get3A_412, %get3A_413] : memref<2048x1xf32, #tpu.memory_space<vmem>>, vector<16x1xf32>
    %add3A_415 = vector.broadcast %get3A_414 : vector<16x1xf32> to vector<16x512xf32>
    %add3A_416 = arith.addf %add3A_411, %add3A_415 : vector<16x512xf32>
    %lt3A_417 = arith.cmpf olt, %add3A_416, %select_n3A_402 : vector<16x512xf32>
    %select_n3A_418 = arith.select %lt3A_417, %add3A_416, %select_n3A_402 : vector<16x512xi1>, vector<16x512xf32>
    %add3A_419 = arith.constant 400 : i32
    %add3A_420 = vector.broadcast %add3A_419 : i32 to vector<16x512xi32>
    %add3A_421 = arith.addi %iota3A, %add3A_420 : vector<16x512xi32>
    %select_n3A_422 = arith.select %lt3A_417, %add3A_421, %select_n3A_406 : vector<16x512xi1>, vector<16x512xi32>
    %get3A_423 = arith.constant 416 : index
    %get3A_424 = arith.constant 0 : index
    %get3A_425 = vector.load %arg7[%get3A_423, %get3A_424] : memref<2048x512xf32, #tpu.memory_space<vmem>>, vector<16x512xf32>
    %add3A_426 = vector.broadcast %dot_general3A_8 : vector<1x512xf32> to vector<16x512xf32>
    %add3A_427 = arith.addf %add3A_426, %get3A_425 : vector<16x512xf32>
    %get3A_428 = arith.constant 416 : index
    %get3A_429 = arith.constant 0 : index
    %get3A_430 = vector.load %arg6[%get3A_428, %get3A_429] : memref<2048x1xf32, #tpu.memory_space<vmem>>, vector<16x1xf32>
    %add3A_431 = vector.broadcast %get3A_430 : vector<16x1xf32> to vector<16x512xf32>
    %add3A_432 = arith.addf %add3A_427, %add3A_431 : vector<16x512xf32>
    %lt3A_433 = arith.cmpf olt, %add3A_432, %select_n3A_418 : vector<16x512xf32>
    %select_n3A_434 = arith.select %lt3A_433, %add3A_432, %select_n3A_418 : vector<16x512xi1>, vector<16x512xf32>
    %add3A_435 = arith.constant 416 : i32
    %add3A_436 = vector.broadcast %add3A_435 : i32 to vector<16x512xi32>
    %add3A_437 = arith.addi %iota3A, %add3A_436 : vector<16x512xi32>
    %select_n3A_438 = arith.select %lt3A_433, %add3A_437, %select_n3A_422 : vector<16x512xi1>, vector<16x512xi32>
    %get3A_439 = arith.constant 432 : index
    %get3A_440 = arith.constant 0 : index
    %get3A_441 = vector.load %arg7[%get3A_439, %get3A_440] : memref<2048x512xf32, #tpu.memory_space<vmem>>, vector<16x512xf32>
    %add3A_442 = vector.broadcast %dot_general3A_8 : vector<1x512xf32> to vector<16x512xf32>
    %add3A_443 = arith.addf %add3A_442, %get3A_441 : vector<16x512xf32>
    %get3A_444 = arith.constant 432 : index
    %get3A_445 = arith.constant 0 : index
    %get3A_446 = vector.load %arg6[%get3A_444, %get3A_445] : memref<2048x1xf32, #tpu.memory_space<vmem>>, vector<16x1xf32>
    %add3A_447 = vector.broadcast %get3A_446 : vector<16x1xf32> to vector<16x512xf32>
    %add3A_448 = arith.addf %add3A_443, %add3A_447 : vector<16x512xf32>
    %lt3A_449 = arith.cmpf olt, %add3A_448, %select_n3A_434 : vector<16x512xf32>
    %select_n3A_450 = arith.select %lt3A_449, %add3A_448, %select_n3A_434 : vector<16x512xi1>, vector<16x512xf32>
    %add3A_451 = arith.constant 432 : i32
    %add3A_452 = vector.broadcast %add3A_451 : i32 to vector<16x512xi32>
    %add3A_453 = arith.addi %iota3A, %add3A_452 : vector<16x512xi32>
    %select_n3A_454 = arith.select %lt3A_449, %add3A_453, %select_n3A_438 : vector<16x512xi1>, vector<16x512xi32>
    %get3A_455 = arith.constant 448 : index
    %get3A_456 = arith.constant 0 : index
    %get3A_457 = vector.load %arg7[%get3A_455, %get3A_456] : memref<2048x512xf32, #tpu.memory_space<vmem>>, vector<16x512xf32>
    %add3A_458 = vector.broadcast %dot_general3A_8 : vector<1x512xf32> to vector<16x512xf32>
    %add3A_459 = arith.addf %add3A_458, %get3A_457 : vector<16x512xf32>
    %get3A_460 = arith.constant 448 : index
    %get3A_461 = arith.constant 0 : index
    %get3A_462 = vector.load %arg6[%get3A_460, %get3A_461] : memref<2048x1xf32, #tpu.memory_space<vmem>>, vector<16x1xf32>
    %add3A_463 = vector.broadcast %get3A_462 : vector<16x1xf32> to vector<16x512xf32>
    %add3A_464 = arith.addf %add3A_459, %add3A_463 : vector<16x512xf32>
    %lt3A_465 = arith.cmpf olt, %add3A_464, %select_n3A_450 : vector<16x512xf32>
    %select_n3A_466 = arith.select %lt3A_465, %add3A_464, %select_n3A_450 : vector<16x512xi1>, vector<16x512xf32>
    %add3A_467 = arith.constant 448 : i32
    %add3A_468 = vector.broadcast %add3A_467 : i32 to vector<16x512xi32>
    %add3A_469 = arith.addi %iota3A, %add3A_468 : vector<16x512xi32>
    %select_n3A_470 = arith.select %lt3A_465, %add3A_469, %select_n3A_454 : vector<16x512xi1>, vector<16x512xi32>
    %get3A_471 = arith.constant 464 : index
    %get3A_472 = arith.constant 0 : index
    %get3A_473 = vector.load %arg7[%get3A_471, %get3A_472] : memref<2048x512xf32, #tpu.memory_space<vmem>>, vector<16x512xf32>
    %add3A_474 = vector.broadcast %dot_general3A_8 : vector<1x512xf32> to vector<16x512xf32>
    %add3A_475 = arith.addf %add3A_474, %get3A_473 : vector<16x512xf32>
    %get3A_476 = arith.constant 464 : index
    %get3A_477 = arith.constant 0 : index
    %get3A_478 = vector.load %arg6[%get3A_476, %get3A_477] : memref<2048x1xf32, #tpu.memory_space<vmem>>, vector<16x1xf32>
    %add3A_479 = vector.broadcast %get3A_478 : vector<16x1xf32> to vector<16x512xf32>
    %add3A_480 = arith.addf %add3A_475, %add3A_479 : vector<16x512xf32>
    %lt3A_481 = arith.cmpf olt, %add3A_480, %select_n3A_466 : vector<16x512xf32>
    %select_n3A_482 = arith.select %lt3A_481, %add3A_480, %select_n3A_466 : vector<16x512xi1>, vector<16x512xf32>
    %add3A_483 = arith.constant 464 : i32
    %add3A_484 = vector.broadcast %add3A_483 : i32 to vector<16x512xi32>
    %add3A_485 = arith.addi %iota3A, %add3A_484 : vector<16x512xi32>
    %select_n3A_486 = arith.select %lt3A_481, %add3A_485, %select_n3A_470 : vector<16x512xi1>, vector<16x512xi32>
    %get3A_487 = arith.constant 480 : index
    %get3A_488 = arith.constant 0 : index
    %get3A_489 = vector.load %arg7[%get3A_487, %get3A_488] : memref<2048x512xf32, #tpu.memory_space<vmem>>, vector<16x512xf32>
    %add3A_490 = vector.broadcast %dot_general3A_8 : vector<1x512xf32> to vector<16x512xf32>
    %add3A_491 = arith.addf %add3A_490, %get3A_489 : vector<16x512xf32>
    %get3A_492 = arith.constant 480 : index
    %get3A_493 = arith.constant 0 : index
    %get3A_494 = vector.load %arg6[%get3A_492, %get3A_493] : memref<2048x1xf32, #tpu.memory_space<vmem>>, vector<16x1xf32>
    %add3A_495 = vector.broadcast %get3A_494 : vector<16x1xf32> to vector<16x512xf32>
    %add3A_496 = arith.addf %add3A_491, %add3A_495 : vector<16x512xf32>
    %lt3A_497 = arith.cmpf olt, %add3A_496, %select_n3A_482 : vector<16x512xf32>
    %select_n3A_498 = arith.select %lt3A_497, %add3A_496, %select_n3A_482 : vector<16x512xi1>, vector<16x512xf32>
    %add3A_499 = arith.constant 480 : i32
    %add3A_500 = vector.broadcast %add3A_499 : i32 to vector<16x512xi32>
    %add3A_501 = arith.addi %iota3A, %add3A_500 : vector<16x512xi32>
    %select_n3A_502 = arith.select %lt3A_497, %add3A_501, %select_n3A_486 : vector<16x512xi1>, vector<16x512xi32>
    %get3A_503 = arith.constant 496 : index
    %get3A_504 = arith.constant 0 : index
    %get3A_505 = vector.load %arg7[%get3A_503, %get3A_504] : memref<2048x512xf32, #tpu.memory_space<vmem>>, vector<16x512xf32>
    %add3A_506 = vector.broadcast %dot_general3A_8 : vector<1x512xf32> to vector<16x512xf32>
    %add3A_507 = arith.addf %add3A_506, %get3A_505 : vector<16x512xf32>
    %get3A_508 = arith.constant 496 : index
    %get3A_509 = arith.constant 0 : index
    %get3A_510 = vector.load %arg6[%get3A_508, %get3A_509] : memref<2048x1xf32, #tpu.memory_space<vmem>>, vector<16x1xf32>
    %add3A_511 = vector.broadcast %get3A_510 : vector<16x1xf32> to vector<16x512xf32>
    %add3A_512 = arith.addf %add3A_507, %add3A_511 : vector<16x512xf32>
    %lt3A_513 = arith.cmpf olt, %add3A_512, %select_n3A_498 : vector<16x512xf32>
    %select_n3A_514 = arith.select %lt3A_513, %add3A_512, %select_n3A_498 : vector<16x512xi1>, vector<16x512xf32>
    %add3A_515 = arith.constant 496 : i32
    %add3A_516 = vector.broadcast %add3A_515 : i32 to vector<16x512xi32>
    %add3A_517 = arith.addi %iota3A, %add3A_516 : vector<16x512xi32>
    %select_n3A_518 = arith.select %lt3A_513, %add3A_517, %select_n3A_502 : vector<16x512xi1>, vector<16x512xi32>
    %get3A_519 = arith.constant 512 : index
    %get3A_520 = arith.constant 0 : index
    %get3A_521 = vector.load %arg7[%get3A_519, %get3A_520] : memref<2048x512xf32, #tpu.memory_space<vmem>>, vector<16x512xf32>
    %add3A_522 = vector.broadcast %dot_general3A_8 : vector<1x512xf32> to vector<16x512xf32>
    %add3A_523 = arith.addf %add3A_522, %get3A_521 : vector<16x512xf32>
    %get3A_524 = arith.constant 512 : index
    %get3A_525 = arith.constant 0 : index
    %get3A_526 = vector.load %arg6[%get3A_524, %get3A_525] : memref<2048x1xf32, #tpu.memory_space<vmem>>, vector<16x1xf32>
    %add3A_527 = vector.broadcast %get3A_526 : vector<16x1xf32> to vector<16x512xf32>
    %add3A_528 = arith.addf %add3A_523, %add3A_527 : vector<16x512xf32>
    %lt3A_529 = arith.cmpf olt, %add3A_528, %select_n3A_514 : vector<16x512xf32>
    %select_n3A_530 = arith.select %lt3A_529, %add3A_528, %select_n3A_514 : vector<16x512xi1>, vector<16x512xf32>
    %add3A_531 = arith.constant 512 : i32
    %add3A_532 = vector.broadcast %add3A_531 : i32 to vector<16x512xi32>
    %add3A_533 = arith.addi %iota3A, %add3A_532 : vector<16x512xi32>
    %select_n3A_534 = arith.select %lt3A_529, %add3A_533, %select_n3A_518 : vector<16x512xi1>, vector<16x512xi32>
    %get3A_535 = arith.constant 528 : index
    %get3A_536 = arith.constant 0 : index
    %get3A_537 = vector.load %arg7[%get3A_535, %get3A_536] : memref<2048x512xf32, #tpu.memory_space<vmem>>, vector<16x512xf32>
    %add3A_538 = vector.broadcast %dot_general3A_8 : vector<1x512xf32> to vector<16x512xf32>
    %add3A_539 = arith.addf %add3A_538, %get3A_537 : vector<16x512xf32>
    %get3A_540 = arith.constant 528 : index
    %get3A_541 = arith.constant 0 : index
    %get3A_542 = vector.load %arg6[%get3A_540, %get3A_541] : memref<2048x1xf32, #tpu.memory_space<vmem>>, vector<16x1xf32>
    %add3A_543 = vector.broadcast %get3A_542 : vector<16x1xf32> to vector<16x512xf32>
    %add3A_544 = arith.addf %add3A_539, %add3A_543 : vector<16x512xf32>
    %lt3A_545 = arith.cmpf olt, %add3A_544, %select_n3A_530 : vector<16x512xf32>
    %select_n3A_546 = arith.select %lt3A_545, %add3A_544, %select_n3A_530 : vector<16x512xi1>, vector<16x512xf32>
    %add3A_547 = arith.constant 528 : i32
    %add3A_548 = vector.broadcast %add3A_547 : i32 to vector<16x512xi32>
    %add3A_549 = arith.addi %iota3A, %add3A_548 : vector<16x512xi32>
    %select_n3A_550 = arith.select %lt3A_545, %add3A_549, %select_n3A_534 : vector<16x512xi1>, vector<16x512xi32>
    %get3A_551 = arith.constant 544 : index
    %get3A_552 = arith.constant 0 : index
    %get3A_553 = vector.load %arg7[%get3A_551, %get3A_552] : memref<2048x512xf32, #tpu.memory_space<vmem>>, vector<16x512xf32>
    %add3A_554 = vector.broadcast %dot_general3A_8 : vector<1x512xf32> to vector<16x512xf32>
    %add3A_555 = arith.addf %add3A_554, %get3A_553 : vector<16x512xf32>
    %get3A_556 = arith.constant 544 : index
    %get3A_557 = arith.constant 0 : index
    %get3A_558 = vector.load %arg6[%get3A_556, %get3A_557] : memref<2048x1xf32, #tpu.memory_space<vmem>>, vector<16x1xf32>
    %add3A_559 = vector.broadcast %get3A_558 : vector<16x1xf32> to vector<16x512xf32>
    %add3A_560 = arith.addf %add3A_555, %add3A_559 : vector<16x512xf32>
    %lt3A_561 = arith.cmpf olt, %add3A_560, %select_n3A_546 : vector<16x512xf32>
    %select_n3A_562 = arith.select %lt3A_561, %add3A_560, %select_n3A_546 : vector<16x512xi1>, vector<16x512xf32>
    %add3A_563 = arith.constant 544 : i32
    %add3A_564 = vector.broadcast %add3A_563 : i32 to vector<16x512xi32>
    %add3A_565 = arith.addi %iota3A, %add3A_564 : vector<16x512xi32>
    %select_n3A_566 = arith.select %lt3A_561, %add3A_565, %select_n3A_550 : vector<16x512xi1>, vector<16x512xi32>
    %get3A_567 = arith.constant 560 : index
    %get3A_568 = arith.constant 0 : index
    %get3A_569 = vector.load %arg7[%get3A_567, %get3A_568] : memref<2048x512xf32, #tpu.memory_space<vmem>>, vector<16x512xf32>
    %add3A_570 = vector.broadcast %dot_general3A_8 : vector<1x512xf32> to vector<16x512xf32>
    %add3A_571 = arith.addf %add3A_570, %get3A_569 : vector<16x512xf32>
    %get3A_572 = arith.constant 560 : index
    %get3A_573 = arith.constant 0 : index
    %get3A_574 = vector.load %arg6[%get3A_572, %get3A_573] : memref<2048x1xf32, #tpu.memory_space<vmem>>, vector<16x1xf32>
    %add3A_575 = vector.broadcast %get3A_574 : vector<16x1xf32> to vector<16x512xf32>
    %add3A_576 = arith.addf %add3A_571, %add3A_575 : vector<16x512xf32>
    %lt3A_577 = arith.cmpf olt, %add3A_576, %select_n3A_562 : vector<16x512xf32>
    %select_n3A_578 = arith.select %lt3A_577, %add3A_576, %select_n3A_562 : vector<16x512xi1>, vector<16x512xf32>
    %add3A_579 = arith.constant 560 : i32
    %add3A_580 = vector.broadcast %add3A_579 : i32 to vector<16x512xi32>
    %add3A_581 = arith.addi %iota3A, %add3A_580 : vector<16x512xi32>
    %select_n3A_582 = arith.select %lt3A_577, %add3A_581, %select_n3A_566 : vector<16x512xi1>, vector<16x512xi32>
    %get3A_583 = arith.constant 576 : index
    %get3A_584 = arith.constant 0 : index
    %get3A_585 = vector.load %arg7[%get3A_583, %get3A_584] : memref<2048x512xf32, #tpu.memory_space<vmem>>, vector<16x512xf32>
    %add3A_586 = vector.broadcast %dot_general3A_8 : vector<1x512xf32> to vector<16x512xf32>
    %add3A_587 = arith.addf %add3A_586, %get3A_585 : vector<16x512xf32>
    %get3A_588 = arith.constant 576 : index
    %get3A_589 = arith.constant 0 : index
    %get3A_590 = vector.load %arg6[%get3A_588, %get3A_589] : memref<2048x1xf32, #tpu.memory_space<vmem>>, vector<16x1xf32>
    %add3A_591 = vector.broadcast %get3A_590 : vector<16x1xf32> to vector<16x512xf32>
    %add3A_592 = arith.addf %add3A_587, %add3A_591 : vector<16x512xf32>
    %lt3A_593 = arith.cmpf olt, %add3A_592, %select_n3A_578 : vector<16x512xf32>
    %select_n3A_594 = arith.select %lt3A_593, %add3A_592, %select_n3A_578 : vector<16x512xi1>, vector<16x512xf32>
    %add3A_595 = arith.constant 576 : i32
    %add3A_596 = vector.broadcast %add3A_595 : i32 to vector<16x512xi32>
    %add3A_597 = arith.addi %iota3A, %add3A_596 : vector<16x512xi32>
    %select_n3A_598 = arith.select %lt3A_593, %add3A_597, %select_n3A_582 : vector<16x512xi1>, vector<16x512xi32>
    %get3A_599 = arith.constant 592 : index
    %get3A_600 = arith.constant 0 : index
    %get3A_601 = vector.load %arg7[%get3A_599, %get3A_600] : memref<2048x512xf32, #tpu.memory_space<vmem>>, vector<16x512xf32>
    %add3A_602 = vector.broadcast %dot_general3A_8 : vector<1x512xf32> to vector<16x512xf32>
    %add3A_603 = arith.addf %add3A_602, %get3A_601 : vector<16x512xf32>
    %get3A_604 = arith.constant 592 : index
    %get3A_605 = arith.constant 0 : index
    %get3A_606 = vector.load %arg6[%get3A_604, %get3A_605] : memref<2048x1xf32, #tpu.memory_space<vmem>>, vector<16x1xf32>
    %add3A_607 = vector.broadcast %get3A_606 : vector<16x1xf32> to vector<16x512xf32>
    %add3A_608 = arith.addf %add3A_603, %add3A_607 : vector<16x512xf32>
    %lt3A_609 = arith.cmpf olt, %add3A_608, %select_n3A_594 : vector<16x512xf32>
    %select_n3A_610 = arith.select %lt3A_609, %add3A_608, %select_n3A_594 : vector<16x512xi1>, vector<16x512xf32>
    %add3A_611 = arith.constant 592 : i32
    %add3A_612 = vector.broadcast %add3A_611 : i32 to vector<16x512xi32>
    %add3A_613 = arith.addi %iota3A, %add3A_612 : vector<16x512xi32>
    %select_n3A_614 = arith.select %lt3A_609, %add3A_613, %select_n3A_598 : vector<16x512xi1>, vector<16x512xi32>
    %get3A_615 = arith.constant 608 : index
    %get3A_616 = arith.constant 0 : index
    %get3A_617 = vector.load %arg7[%get3A_615, %get3A_616] : memref<2048x512xf32, #tpu.memory_space<vmem>>, vector<16x512xf32>
    %add3A_618 = vector.broadcast %dot_general3A_8 : vector<1x512xf32> to vector<16x512xf32>
    %add3A_619 = arith.addf %add3A_618, %get3A_617 : vector<16x512xf32>
    %get3A_620 = arith.constant 608 : index
    %get3A_621 = arith.constant 0 : index
    %get3A_622 = vector.load %arg6[%get3A_620, %get3A_621] : memref<2048x1xf32, #tpu.memory_space<vmem>>, vector<16x1xf32>
    %add3A_623 = vector.broadcast %get3A_622 : vector<16x1xf32> to vector<16x512xf32>
    %add3A_624 = arith.addf %add3A_619, %add3A_623 : vector<16x512xf32>
    %lt3A_625 = arith.cmpf olt, %add3A_624, %select_n3A_610 : vector<16x512xf32>
    %select_n3A_626 = arith.select %lt3A_625, %add3A_624, %select_n3A_610 : vector<16x512xi1>, vector<16x512xf32>
    %add3A_627 = arith.constant 608 : i32
    %add3A_628 = vector.broadcast %add3A_627 : i32 to vector<16x512xi32>
    %add3A_629 = arith.addi %iota3A, %add3A_628 : vector<16x512xi32>
    %select_n3A_630 = arith.select %lt3A_625, %add3A_629, %select_n3A_614 : vector<16x512xi1>, vector<16x512xi32>
    %get3A_631 = arith.constant 624 : index
    %get3A_632 = arith.constant 0 : index
    %get3A_633 = vector.load %arg7[%get3A_631, %get3A_632] : memref<2048x512xf32, #tpu.memory_space<vmem>>, vector<16x512xf32>
    %add3A_634 = vector.broadcast %dot_general3A_8 : vector<1x512xf32> to vector<16x512xf32>
    %add3A_635 = arith.addf %add3A_634, %get3A_633 : vector<16x512xf32>
    %get3A_636 = arith.constant 624 : index
    %get3A_637 = arith.constant 0 : index
    %get3A_638 = vector.load %arg6[%get3A_636, %get3A_637] : memref<2048x1xf32, #tpu.memory_space<vmem>>, vector<16x1xf32>
    %add3A_639 = vector.broadcast %get3A_638 : vector<16x1xf32> to vector<16x512xf32>
    %add3A_640 = arith.addf %add3A_635, %add3A_639 : vector<16x512xf32>
    %lt3A_641 = arith.cmpf olt, %add3A_640, %select_n3A_626 : vector<16x512xf32>
    %select_n3A_642 = arith.select %lt3A_641, %add3A_640, %select_n3A_626 : vector<16x512xi1>, vector<16x512xf32>
    %add3A_643 = arith.constant 624 : i32
    %add3A_644 = vector.broadcast %add3A_643 : i32 to vector<16x512xi32>
    %add3A_645 = arith.addi %iota3A, %add3A_644 : vector<16x512xi32>
    %select_n3A_646 = arith.select %lt3A_641, %add3A_645, %select_n3A_630 : vector<16x512xi1>, vector<16x512xi32>
    %get3A_647 = arith.constant 640 : index
    %get3A_648 = arith.constant 0 : index
    %get3A_649 = vector.load %arg7[%get3A_647, %get3A_648] : memref<2048x512xf32, #tpu.memory_space<vmem>>, vector<16x512xf32>
    %add3A_650 = vector.broadcast %dot_general3A_8 : vector<1x512xf32> to vector<16x512xf32>
    %add3A_651 = arith.addf %add3A_650, %get3A_649 : vector<16x512xf32>
    %get3A_652 = arith.constant 640 : index
    %get3A_653 = arith.constant 0 : index
    %get3A_654 = vector.load %arg6[%get3A_652, %get3A_653] : memref<2048x1xf32, #tpu.memory_space<vmem>>, vector<16x1xf32>
    %add3A_655 = vector.broadcast %get3A_654 : vector<16x1xf32> to vector<16x512xf32>
    %add3A_656 = arith.addf %add3A_651, %add3A_655 : vector<16x512xf32>
    %lt3A_657 = arith.cmpf olt, %add3A_656, %select_n3A_642 : vector<16x512xf32>
    %select_n3A_658 = arith.select %lt3A_657, %add3A_656, %select_n3A_642 : vector<16x512xi1>, vector<16x512xf32>
    %add3A_659 = arith.constant 640 : i32
    %add3A_660 = vector.broadcast %add3A_659 : i32 to vector<16x512xi32>
    %add3A_661 = arith.addi %iota3A, %add3A_660 : vector<16x512xi32>
    %select_n3A_662 = arith.select %lt3A_657, %add3A_661, %select_n3A_646 : vector<16x512xi1>, vector<16x512xi32>
    %get3A_663 = arith.constant 656 : index
    %get3A_664 = arith.constant 0 : index
    %get3A_665 = vector.load %arg7[%get3A_663, %get3A_664] : memref<2048x512xf32, #tpu.memory_space<vmem>>, vector<16x512xf32>
    %add3A_666 = vector.broadcast %dot_general3A_8 : vector<1x512xf32> to vector<16x512xf32>
    %add3A_667 = arith.addf %add3A_666, %get3A_665 : vector<16x512xf32>
    %get3A_668 = arith.constant 656 : index
    %get3A_669 = arith.constant 0 : index
    %get3A_670 = vector.load %arg6[%get3A_668, %get3A_669] : memref<2048x1xf32, #tpu.memory_space<vmem>>, vector<16x1xf32>
    %add3A_671 = vector.broadcast %get3A_670 : vector<16x1xf32> to vector<16x512xf32>
    %add3A_672 = arith.addf %add3A_667, %add3A_671 : vector<16x512xf32>
    %lt3A_673 = arith.cmpf olt, %add3A_672, %select_n3A_658 : vector<16x512xf32>
    %select_n3A_674 = arith.select %lt3A_673, %add3A_672, %select_n3A_658 : vector<16x512xi1>, vector<16x512xf32>
    %add3A_675 = arith.constant 656 : i32
    %add3A_676 = vector.broadcast %add3A_675 : i32 to vector<16x512xi32>
    %add3A_677 = arith.addi %iota3A, %add3A_676 : vector<16x512xi32>
    %select_n3A_678 = arith.select %lt3A_673, %add3A_677, %select_n3A_662 : vector<16x512xi1>, vector<16x512xi32>
    %get3A_679 = arith.constant 672 : index
    %get3A_680 = arith.constant 0 : index
    %get3A_681 = vector.load %arg7[%get3A_679, %get3A_680] : memref<2048x512xf32, #tpu.memory_space<vmem>>, vector<16x512xf32>
    %add3A_682 = vector.broadcast %dot_general3A_8 : vector<1x512xf32> to vector<16x512xf32>
    %add3A_683 = arith.addf %add3A_682, %get3A_681 : vector<16x512xf32>
    %get3A_684 = arith.constant 672 : index
    %get3A_685 = arith.constant 0 : index
    %get3A_686 = vector.load %arg6[%get3A_684, %get3A_685] : memref<2048x1xf32, #tpu.memory_space<vmem>>, vector<16x1xf32>
    %add3A_687 = vector.broadcast %get3A_686 : vector<16x1xf32> to vector<16x512xf32>
    %add3A_688 = arith.addf %add3A_683, %add3A_687 : vector<16x512xf32>
    %lt3A_689 = arith.cmpf olt, %add3A_688, %select_n3A_674 : vector<16x512xf32>
    %select_n3A_690 = arith.select %lt3A_689, %add3A_688, %select_n3A_674 : vector<16x512xi1>, vector<16x512xf32>
    %add3A_691 = arith.constant 672 : i32
    %add3A_692 = vector.broadcast %add3A_691 : i32 to vector<16x512xi32>
    %add3A_693 = arith.addi %iota3A, %add3A_692 : vector<16x512xi32>
    %select_n3A_694 = arith.select %lt3A_689, %add3A_693, %select_n3A_678 : vector<16x512xi1>, vector<16x512xi32>
    %get3A_695 = arith.constant 688 : index
    %get3A_696 = arith.constant 0 : index
    %get3A_697 = vector.load %arg7[%get3A_695, %get3A_696] : memref<2048x512xf32, #tpu.memory_space<vmem>>, vector<16x512xf32>
    %add3A_698 = vector.broadcast %dot_general3A_8 : vector<1x512xf32> to vector<16x512xf32>
    %add3A_699 = arith.addf %add3A_698, %get3A_697 : vector<16x512xf32>
    %get3A_700 = arith.constant 688 : index
    %get3A_701 = arith.constant 0 : index
    %get3A_702 = vector.load %arg6[%get3A_700, %get3A_701] : memref<2048x1xf32, #tpu.memory_space<vmem>>, vector<16x1xf32>
    %add3A_703 = vector.broadcast %get3A_702 : vector<16x1xf32> to vector<16x512xf32>
    %add3A_704 = arith.addf %add3A_699, %add3A_703 : vector<16x512xf32>
    %lt3A_705 = arith.cmpf olt, %add3A_704, %select_n3A_690 : vector<16x512xf32>
    %select_n3A_706 = arith.select %lt3A_705, %add3A_704, %select_n3A_690 : vector<16x512xi1>, vector<16x512xf32>
    %add3A_707 = arith.constant 688 : i32
    %add3A_708 = vector.broadcast %add3A_707 : i32 to vector<16x512xi32>
    %add3A_709 = arith.addi %iota3A, %add3A_708 : vector<16x512xi32>
    %select_n3A_710 = arith.select %lt3A_705, %add3A_709, %select_n3A_694 : vector<16x512xi1>, vector<16x512xi32>
    %get3A_711 = arith.constant 704 : index
    %get3A_712 = arith.constant 0 : index
    %get3A_713 = vector.load %arg7[%get3A_711, %get3A_712] : memref<2048x512xf32, #tpu.memory_space<vmem>>, vector<16x512xf32>
    %add3A_714 = vector.broadcast %dot_general3A_8 : vector<1x512xf32> to vector<16x512xf32>
    %add3A_715 = arith.addf %add3A_714, %get3A_713 : vector<16x512xf32>
    %get3A_716 = arith.constant 704 : index
    %get3A_717 = arith.constant 0 : index
    %get3A_718 = vector.load %arg6[%get3A_716, %get3A_717] : memref<2048x1xf32, #tpu.memory_space<vmem>>, vector<16x1xf32>
    %add3A_719 = vector.broadcast %get3A_718 : vector<16x1xf32> to vector<16x512xf32>
    %add3A_720 = arith.addf %add3A_715, %add3A_719 : vector<16x512xf32>
    %lt3A_721 = arith.cmpf olt, %add3A_720, %select_n3A_706 : vector<16x512xf32>
    %select_n3A_722 = arith.select %lt3A_721, %add3A_720, %select_n3A_706 : vector<16x512xi1>, vector<16x512xf32>
    %add3A_723 = arith.constant 704 : i32
    %add3A_724 = vector.broadcast %add3A_723 : i32 to vector<16x512xi32>
    %add3A_725 = arith.addi %iota3A, %add3A_724 : vector<16x512xi32>
    %select_n3A_726 = arith.select %lt3A_721, %add3A_725, %select_n3A_710 : vector<16x512xi1>, vector<16x512xi32>
    %get3A_727 = arith.constant 720 : index
    %get3A_728 = arith.constant 0 : index
    %get3A_729 = vector.load %arg7[%get3A_727, %get3A_728] : memref<2048x512xf32, #tpu.memory_space<vmem>>, vector<16x512xf32>
    %add3A_730 = vector.broadcast %dot_general3A_8 : vector<1x512xf32> to vector<16x512xf32>
    %add3A_731 = arith.addf %add3A_730, %get3A_729 : vector<16x512xf32>
    %get3A_732 = arith.constant 720 : index
    %get3A_733 = arith.constant 0 : index
    %get3A_734 = vector.load %arg6[%get3A_732, %get3A_733] : memref<2048x1xf32, #tpu.memory_space<vmem>>, vector<16x1xf32>
    %add3A_735 = vector.broadcast %get3A_734 : vector<16x1xf32> to vector<16x512xf32>
    %add3A_736 = arith.addf %add3A_731, %add3A_735 : vector<16x512xf32>
    %lt3A_737 = arith.cmpf olt, %add3A_736, %select_n3A_722 : vector<16x512xf32>
    %select_n3A_738 = arith.select %lt3A_737, %add3A_736, %select_n3A_722 : vector<16x512xi1>, vector<16x512xf32>
    %add3A_739 = arith.constant 720 : i32
    %add3A_740 = vector.broadcast %add3A_739 : i32 to vector<16x512xi32>
    %add3A_741 = arith.addi %iota3A, %add3A_740 : vector<16x512xi32>
    %select_n3A_742 = arith.select %lt3A_737, %add3A_741, %select_n3A_726 : vector<16x512xi1>, vector<16x512xi32>
    %get3A_743 = arith.constant 736 : index
    %get3A_744 = arith.constant 0 : index
    %get3A_745 = vector.load %arg7[%get3A_743, %get3A_744] : memref<2048x512xf32, #tpu.memory_space<vmem>>, vector<16x512xf32>
    %add3A_746 = vector.broadcast %dot_general3A_8 : vector<1x512xf32> to vector<16x512xf32>
    %add3A_747 = arith.addf %add3A_746, %get3A_745 : vector<16x512xf32>
    %get3A_748 = arith.constant 736 : index
    %get3A_749 = arith.constant 0 : index
    %get3A_750 = vector.load %arg6[%get3A_748, %get3A_749] : memref<2048x1xf32, #tpu.memory_space<vmem>>, vector<16x1xf32>
    %add3A_751 = vector.broadcast %get3A_750 : vector<16x1xf32> to vector<16x512xf32>
    %add3A_752 = arith.addf %add3A_747, %add3A_751 : vector<16x512xf32>
    %lt3A_753 = arith.cmpf olt, %add3A_752, %select_n3A_738 : vector<16x512xf32>
    %select_n3A_754 = arith.select %lt3A_753, %add3A_752, %select_n3A_738 : vector<16x512xi1>, vector<16x512xf32>
    %add3A_755 = arith.constant 736 : i32
    %add3A_756 = vector.broadcast %add3A_755 : i32 to vector<16x512xi32>
    %add3A_757 = arith.addi %iota3A, %add3A_756 : vector<16x512xi32>
    %select_n3A_758 = arith.select %lt3A_753, %add3A_757, %select_n3A_742 : vector<16x512xi1>, vector<16x512xi32>
    %get3A_759 = arith.constant 752 : index
    %get3A_760 = arith.constant 0 : index
    %get3A_761 = vector.load %arg7[%get3A_759, %get3A_760] : memref<2048x512xf32, #tpu.memory_space<vmem>>, vector<16x512xf32>
    %add3A_762 = vector.broadcast %dot_general3A_8 : vector<1x512xf32> to vector<16x512xf32>
    %add3A_763 = arith.addf %add3A_762, %get3A_761 : vector<16x512xf32>
    %get3A_764 = arith.constant 752 : index
    %get3A_765 = arith.constant 0 : index
    %get3A_766 = vector.load %arg6[%get3A_764, %get3A_765] : memref<2048x1xf32, #tpu.memory_space<vmem>>, vector<16x1xf32>
    %add3A_767 = vector.broadcast %get3A_766 : vector<16x1xf32> to vector<16x512xf32>
    %add3A_768 = arith.addf %add3A_763, %add3A_767 : vector<16x512xf32>
    %lt3A_769 = arith.cmpf olt, %add3A_768, %select_n3A_754 : vector<16x512xf32>
    %select_n3A_770 = arith.select %lt3A_769, %add3A_768, %select_n3A_754 : vector<16x512xi1>, vector<16x512xf32>
    %add3A_771 = arith.constant 752 : i32
    %add3A_772 = vector.broadcast %add3A_771 : i32 to vector<16x512xi32>
    %add3A_773 = arith.addi %iota3A, %add3A_772 : vector<16x512xi32>
    %select_n3A_774 = arith.select %lt3A_769, %add3A_773, %select_n3A_758 : vector<16x512xi1>, vector<16x512xi32>
    %get3A_775 = arith.constant 768 : index
    %get3A_776 = arith.constant 0 : index
    %get3A_777 = vector.load %arg7[%get3A_775, %get3A_776] : memref<2048x512xf32, #tpu.memory_space<vmem>>, vector<16x512xf32>
    %add3A_778 = vector.broadcast %dot_general3A_8 : vector<1x512xf32> to vector<16x512xf32>
    %add3A_779 = arith.addf %add3A_778, %get3A_777 : vector<16x512xf32>
    %get3A_780 = arith.constant 768 : index
    %get3A_781 = arith.constant 0 : index
    %get3A_782 = vector.load %arg6[%get3A_780, %get3A_781] : memref<2048x1xf32, #tpu.memory_space<vmem>>, vector<16x1xf32>
    %add3A_783 = vector.broadcast %get3A_782 : vector<16x1xf32> to vector<16x512xf32>
    %add3A_784 = arith.addf %add3A_779, %add3A_783 : vector<16x512xf32>
    %lt3A_785 = arith.cmpf olt, %add3A_784, %select_n3A_770 : vector<16x512xf32>
    %select_n3A_786 = arith.select %lt3A_785, %add3A_784, %select_n3A_770 : vector<16x512xi1>, vector<16x512xf32>
    %add3A_787 = arith.constant 768 : i32
    %add3A_788 = vector.broadcast %add3A_787 : i32 to vector<16x512xi32>
    %add3A_789 = arith.addi %iota3A, %add3A_788 : vector<16x512xi32>
    %select_n3A_790 = arith.select %lt3A_785, %add3A_789, %select_n3A_774 : vector<16x512xi1>, vector<16x512xi32>
    %get3A_791 = arith.constant 784 : index
    %get3A_792 = arith.constant 0 : index
    %get3A_793 = vector.load %arg7[%get3A_791, %get3A_792] : memref<2048x512xf32, #tpu.memory_space<vmem>>, vector<16x512xf32>
    %add3A_794 = vector.broadcast %dot_general3A_8 : vector<1x512xf32> to vector<16x512xf32>
    %add3A_795 = arith.addf %add3A_794, %get3A_793 : vector<16x512xf32>
    %get3A_796 = arith.constant 784 : index
    %get3A_797 = arith.constant 0 : index
    %get3A_798 = vector.load %arg6[%get3A_796, %get3A_797] : memref<2048x1xf32, #tpu.memory_space<vmem>>, vector<16x1xf32>
    %add3A_799 = vector.broadcast %get3A_798 : vector<16x1xf32> to vector<16x512xf32>
    %add3A_800 = arith.addf %add3A_795, %add3A_799 : vector<16x512xf32>
    %lt3A_801 = arith.cmpf olt, %add3A_800, %select_n3A_786 : vector<16x512xf32>
    %select_n3A_802 = arith.select %lt3A_801, %add3A_800, %select_n3A_786 : vector<16x512xi1>, vector<16x512xf32>
    %add3A_803 = arith.constant 784 : i32
    %add3A_804 = vector.broadcast %add3A_803 : i32 to vector<16x512xi32>
    %add3A_805 = arith.addi %iota3A, %add3A_804 : vector<16x512xi32>
    %select_n3A_806 = arith.select %lt3A_801, %add3A_805, %select_n3A_790 : vector<16x512xi1>, vector<16x512xi32>
    %get3A_807 = arith.constant 800 : index
    %get3A_808 = arith.constant 0 : index
    %get3A_809 = vector.load %arg7[%get3A_807, %get3A_808] : memref<2048x512xf32, #tpu.memory_space<vmem>>, vector<16x512xf32>
    %add3A_810 = vector.broadcast %dot_general3A_8 : vector<1x512xf32> to vector<16x512xf32>
    %add3A_811 = arith.addf %add3A_810, %get3A_809 : vector<16x512xf32>
    %get3A_812 = arith.constant 800 : index
    %get3A_813 = arith.constant 0 : index
    %get3A_814 = vector.load %arg6[%get3A_812, %get3A_813] : memref<2048x1xf32, #tpu.memory_space<vmem>>, vector<16x1xf32>
    %add3A_815 = vector.broadcast %get3A_814 : vector<16x1xf32> to vector<16x512xf32>
    %add3A_816 = arith.addf %add3A_811, %add3A_815 : vector<16x512xf32>
    %lt3A_817 = arith.cmpf olt, %add3A_816, %select_n3A_802 : vector<16x512xf32>
    %select_n3A_818 = arith.select %lt3A_817, %add3A_816, %select_n3A_802 : vector<16x512xi1>, vector<16x512xf32>
    %add3A_819 = arith.constant 800 : i32
    %add3A_820 = vector.broadcast %add3A_819 : i32 to vector<16x512xi32>
    %add3A_821 = arith.addi %iota3A, %add3A_820 : vector<16x512xi32>
    %select_n3A_822 = arith.select %lt3A_817, %add3A_821, %select_n3A_806 : vector<16x512xi1>, vector<16x512xi32>
    %get3A_823 = arith.constant 816 : index
    %get3A_824 = arith.constant 0 : index
    %get3A_825 = vector.load %arg7[%get3A_823, %get3A_824] : memref<2048x512xf32, #tpu.memory_space<vmem>>, vector<16x512xf32>
    %add3A_826 = vector.broadcast %dot_general3A_8 : vector<1x512xf32> to vector<16x512xf32>
    %add3A_827 = arith.addf %add3A_826, %get3A_825 : vector<16x512xf32>
    %get3A_828 = arith.constant 816 : index
    %get3A_829 = arith.constant 0 : index
    %get3A_830 = vector.load %arg6[%get3A_828, %get3A_829] : memref<2048x1xf32, #tpu.memory_space<vmem>>, vector<16x1xf32>
    %add3A_831 = vector.broadcast %get3A_830 : vector<16x1xf32> to vector<16x512xf32>
    %add3A_832 = arith.addf %add3A_827, %add3A_831 : vector<16x512xf32>
    %lt3A_833 = arith.cmpf olt, %add3A_832, %select_n3A_818 : vector<16x512xf32>
    %select_n3A_834 = arith.select %lt3A_833, %add3A_832, %select_n3A_818 : vector<16x512xi1>, vector<16x512xf32>
    %add3A_835 = arith.constant 816 : i32
    %add3A_836 = vector.broadcast %add3A_835 : i32 to vector<16x512xi32>
    %add3A_837 = arith.addi %iota3A, %add3A_836 : vector<16x512xi32>
    %select_n3A_838 = arith.select %lt3A_833, %add3A_837, %select_n3A_822 : vector<16x512xi1>, vector<16x512xi32>
    %get3A_839 = arith.constant 832 : index
    %get3A_840 = arith.constant 0 : index
    %get3A_841 = vector.load %arg7[%get3A_839, %get3A_840] : memref<2048x512xf32, #tpu.memory_space<vmem>>, vector<16x512xf32>
    %add3A_842 = vector.broadcast %dot_general3A_8 : vector<1x512xf32> to vector<16x512xf32>
    %add3A_843 = arith.addf %add3A_842, %get3A_841 : vector<16x512xf32>
    %get3A_844 = arith.constant 832 : index
    %get3A_845 = arith.constant 0 : index
    %get3A_846 = vector.load %arg6[%get3A_844, %get3A_845] : memref<2048x1xf32, #tpu.memory_space<vmem>>, vector<16x1xf32>
    %add3A_847 = vector.broadcast %get3A_846 : vector<16x1xf32> to vector<16x512xf32>
    %add3A_848 = arith.addf %add3A_843, %add3A_847 : vector<16x512xf32>
    %lt3A_849 = arith.cmpf olt, %add3A_848, %select_n3A_834 : vector<16x512xf32>
    %select_n3A_850 = arith.select %lt3A_849, %add3A_848, %select_n3A_834 : vector<16x512xi1>, vector<16x512xf32>
    %add3A_851 = arith.constant 832 : i32
    %add3A_852 = vector.broadcast %add3A_851 : i32 to vector<16x512xi32>
    %add3A_853 = arith.addi %iota3A, %add3A_852 : vector<16x512xi32>
    %select_n3A_854 = arith.select %lt3A_849, %add3A_853, %select_n3A_838 : vector<16x512xi1>, vector<16x512xi32>
    %get3A_855 = arith.constant 848 : index
    %get3A_856 = arith.constant 0 : index
    %get3A_857 = vector.load %arg7[%get3A_855, %get3A_856] : memref<2048x512xf32, #tpu.memory_space<vmem>>, vector<16x512xf32>
    %add3A_858 = vector.broadcast %dot_general3A_8 : vector<1x512xf32> to vector<16x512xf32>
    %add3A_859 = arith.addf %add3A_858, %get3A_857 : vector<16x512xf32>
    %get3A_860 = arith.constant 848 : index
    %get3A_861 = arith.constant 0 : index
    %get3A_862 = vector.load %arg6[%get3A_860, %get3A_861] : memref<2048x1xf32, #tpu.memory_space<vmem>>, vector<16x1xf32>
    %add3A_863 = vector.broadcast %get3A_862 : vector<16x1xf32> to vector<16x512xf32>
    %add3A_864 = arith.addf %add3A_859, %add3A_863 : vector<16x512xf32>
    %lt3A_865 = arith.cmpf olt, %add3A_864, %select_n3A_850 : vector<16x512xf32>
    %select_n3A_866 = arith.select %lt3A_865, %add3A_864, %select_n3A_850 : vector<16x512xi1>, vector<16x512xf32>
    %add3A_867 = arith.constant 848 : i32
    %add3A_868 = vector.broadcast %add3A_867 : i32 to vector<16x512xi32>
    %add3A_869 = arith.addi %iota3A, %add3A_868 : vector<16x512xi32>
    %select_n3A_870 = arith.select %lt3A_865, %add3A_869, %select_n3A_854 : vector<16x512xi1>, vector<16x512xi32>
    %get3A_871 = arith.constant 864 : index
    %get3A_872 = arith.constant 0 : index
    %get3A_873 = vector.load %arg7[%get3A_871, %get3A_872] : memref<2048x512xf32, #tpu.memory_space<vmem>>, vector<16x512xf32>
    %add3A_874 = vector.broadcast %dot_general3A_8 : vector<1x512xf32> to vector<16x512xf32>
    %add3A_875 = arith.addf %add3A_874, %get3A_873 : vector<16x512xf32>
    %get3A_876 = arith.constant 864 : index
    %get3A_877 = arith.constant 0 : index
    %get3A_878 = vector.load %arg6[%get3A_876, %get3A_877] : memref<2048x1xf32, #tpu.memory_space<vmem>>, vector<16x1xf32>
    %add3A_879 = vector.broadcast %get3A_878 : vector<16x1xf32> to vector<16x512xf32>
    %add3A_880 = arith.addf %add3A_875, %add3A_879 : vector<16x512xf32>
    %lt3A_881 = arith.cmpf olt, %add3A_880, %select_n3A_866 : vector<16x512xf32>
    %select_n3A_882 = arith.select %lt3A_881, %add3A_880, %select_n3A_866 : vector<16x512xi1>, vector<16x512xf32>
    %add3A_883 = arith.constant 864 : i32
    %add3A_884 = vector.broadcast %add3A_883 : i32 to vector<16x512xi32>
    %add3A_885 = arith.addi %iota3A, %add3A_884 : vector<16x512xi32>
    %select_n3A_886 = arith.select %lt3A_881, %add3A_885, %select_n3A_870 : vector<16x512xi1>, vector<16x512xi32>
    %get3A_887 = arith.constant 880 : index
    %get3A_888 = arith.constant 0 : index
    %get3A_889 = vector.load %arg7[%get3A_887, %get3A_888] : memref<2048x512xf32, #tpu.memory_space<vmem>>, vector<16x512xf32>
    %add3A_890 = vector.broadcast %dot_general3A_8 : vector<1x512xf32> to vector<16x512xf32>
    %add3A_891 = arith.addf %add3A_890, %get3A_889 : vector<16x512xf32>
    %get3A_892 = arith.constant 880 : index
    %get3A_893 = arith.constant 0 : index
    %get3A_894 = vector.load %arg6[%get3A_892, %get3A_893] : memref<2048x1xf32, #tpu.memory_space<vmem>>, vector<16x1xf32>
    %add3A_895 = vector.broadcast %get3A_894 : vector<16x1xf32> to vector<16x512xf32>
    %add3A_896 = arith.addf %add3A_891, %add3A_895 : vector<16x512xf32>
    %lt3A_897 = arith.cmpf olt, %add3A_896, %select_n3A_882 : vector<16x512xf32>
    %select_n3A_898 = arith.select %lt3A_897, %add3A_896, %select_n3A_882 : vector<16x512xi1>, vector<16x512xf32>
    %add3A_899 = arith.constant 880 : i32
    %add3A_900 = vector.broadcast %add3A_899 : i32 to vector<16x512xi32>
    %add3A_901 = arith.addi %iota3A, %add3A_900 : vector<16x512xi32>
    %select_n3A_902 = arith.select %lt3A_897, %add3A_901, %select_n3A_886 : vector<16x512xi1>, vector<16x512xi32>
    %get3A_903 = arith.constant 896 : index
    %get3A_904 = arith.constant 0 : index
    %get3A_905 = vector.load %arg7[%get3A_903, %get3A_904] : memref<2048x512xf32, #tpu.memory_space<vmem>>, vector<16x512xf32>
    %add3A_906 = vector.broadcast %dot_general3A_8 : vector<1x512xf32> to vector<16x512xf32>
    %add3A_907 = arith.addf %add3A_906, %get3A_905 : vector<16x512xf32>
    %get3A_908 = arith.constant 896 : index
    %get3A_909 = arith.constant 0 : index
    %get3A_910 = vector.load %arg6[%get3A_908, %get3A_909] : memref<2048x1xf32, #tpu.memory_space<vmem>>, vector<16x1xf32>
    %add3A_911 = vector.broadcast %get3A_910 : vector<16x1xf32> to vector<16x512xf32>
    %add3A_912 = arith.addf %add3A_907, %add3A_911 : vector<16x512xf32>
    %lt3A_913 = arith.cmpf olt, %add3A_912, %select_n3A_898 : vector<16x512xf32>
    %select_n3A_914 = arith.select %lt3A_913, %add3A_912, %select_n3A_898 : vector<16x512xi1>, vector<16x512xf32>
    %add3A_915 = arith.constant 896 : i32
    %add3A_916 = vector.broadcast %add3A_915 : i32 to vector<16x512xi32>
    %add3A_917 = arith.addi %iota3A, %add3A_916 : vector<16x512xi32>
    %select_n3A_918 = arith.select %lt3A_913, %add3A_917, %select_n3A_902 : vector<16x512xi1>, vector<16x512xi32>
    %get3A_919 = arith.constant 912 : index
    %get3A_920 = arith.constant 0 : index
    %get3A_921 = vector.load %arg7[%get3A_919, %get3A_920] : memref<2048x512xf32, #tpu.memory_space<vmem>>, vector<16x512xf32>
    %add3A_922 = vector.broadcast %dot_general3A_8 : vector<1x512xf32> to vector<16x512xf32>
    %add3A_923 = arith.addf %add3A_922, %get3A_921 : vector<16x512xf32>
    %get3A_924 = arith.constant 912 : index
    %get3A_925 = arith.constant 0 : index
    %get3A_926 = vector.load %arg6[%get3A_924, %get3A_925] : memref<2048x1xf32, #tpu.memory_space<vmem>>, vector<16x1xf32>
    %add3A_927 = vector.broadcast %get3A_926 : vector<16x1xf32> to vector<16x512xf32>
    %add3A_928 = arith.addf %add3A_923, %add3A_927 : vector<16x512xf32>
    %lt3A_929 = arith.cmpf olt, %add3A_928, %select_n3A_914 : vector<16x512xf32>
    %select_n3A_930 = arith.select %lt3A_929, %add3A_928, %select_n3A_914 : vector<16x512xi1>, vector<16x512xf32>
    %add3A_931 = arith.constant 912 : i32
    %add3A_932 = vector.broadcast %add3A_931 : i32 to vector<16x512xi32>
    %add3A_933 = arith.addi %iota3A, %add3A_932 : vector<16x512xi32>
    %select_n3A_934 = arith.select %lt3A_929, %add3A_933, %select_n3A_918 : vector<16x512xi1>, vector<16x512xi32>
    %get3A_935 = arith.constant 928 : index
    %get3A_936 = arith.constant 0 : index
    %get3A_937 = vector.load %arg7[%get3A_935, %get3A_936] : memref<2048x512xf32, #tpu.memory_space<vmem>>, vector<16x512xf32>
    %add3A_938 = vector.broadcast %dot_general3A_8 : vector<1x512xf32> to vector<16x512xf32>
    %add3A_939 = arith.addf %add3A_938, %get3A_937 : vector<16x512xf32>
    %get3A_940 = arith.constant 928 : index
    %get3A_941 = arith.constant 0 : index
    %get3A_942 = vector.load %arg6[%get3A_940, %get3A_941] : memref<2048x1xf32, #tpu.memory_space<vmem>>, vector<16x1xf32>
    %add3A_943 = vector.broadcast %get3A_942 : vector<16x1xf32> to vector<16x512xf32>
    %add3A_944 = arith.addf %add3A_939, %add3A_943 : vector<16x512xf32>
    %lt3A_945 = arith.cmpf olt, %add3A_944, %select_n3A_930 : vector<16x512xf32>
    %select_n3A_946 = arith.select %lt3A_945, %add3A_944, %select_n3A_930 : vector<16x512xi1>, vector<16x512xf32>
    %add3A_947 = arith.constant 928 : i32
    %add3A_948 = vector.broadcast %add3A_947 : i32 to vector<16x512xi32>
    %add3A_949 = arith.addi %iota3A, %add3A_948 : vector<16x512xi32>
    %select_n3A_950 = arith.select %lt3A_945, %add3A_949, %select_n3A_934 : vector<16x512xi1>, vector<16x512xi32>
    %get3A_951 = arith.constant 944 : index
    %get3A_952 = arith.constant 0 : index
    %get3A_953 = vector.load %arg7[%get3A_951, %get3A_952] : memref<2048x512xf32, #tpu.memory_space<vmem>>, vector<16x512xf32>
    %add3A_954 = vector.broadcast %dot_general3A_8 : vector<1x512xf32> to vector<16x512xf32>
    %add3A_955 = arith.addf %add3A_954, %get3A_953 : vector<16x512xf32>
    %get3A_956 = arith.constant 944 : index
    %get3A_957 = arith.constant 0 : index
    %get3A_958 = vector.load %arg6[%get3A_956, %get3A_957] : memref<2048x1xf32, #tpu.memory_space<vmem>>, vector<16x1xf32>
    %add3A_959 = vector.broadcast %get3A_958 : vector<16x1xf32> to vector<16x512xf32>
    %add3A_960 = arith.addf %add3A_955, %add3A_959 : vector<16x512xf32>
    %lt3A_961 = arith.cmpf olt, %add3A_960, %select_n3A_946 : vector<16x512xf32>
    %select_n3A_962 = arith.select %lt3A_961, %add3A_960, %select_n3A_946 : vector<16x512xi1>, vector<16x512xf32>
    %add3A_963 = arith.constant 944 : i32
    %add3A_964 = vector.broadcast %add3A_963 : i32 to vector<16x512xi32>
    %add3A_965 = arith.addi %iota3A, %add3A_964 : vector<16x512xi32>
    %select_n3A_966 = arith.select %lt3A_961, %add3A_965, %select_n3A_950 : vector<16x512xi1>, vector<16x512xi32>
    %get3A_967 = arith.constant 960 : index
    %get3A_968 = arith.constant 0 : index
    %get3A_969 = vector.load %arg7[%get3A_967, %get3A_968] : memref<2048x512xf32, #tpu.memory_space<vmem>>, vector<16x512xf32>
    %add3A_970 = vector.broadcast %dot_general3A_8 : vector<1x512xf32> to vector<16x512xf32>
    %add3A_971 = arith.addf %add3A_970, %get3A_969 : vector<16x512xf32>
    %get3A_972 = arith.constant 960 : index
    %get3A_973 = arith.constant 0 : index
    %get3A_974 = vector.load %arg6[%get3A_972, %get3A_973] : memref<2048x1xf32, #tpu.memory_space<vmem>>, vector<16x1xf32>
    %add3A_975 = vector.broadcast %get3A_974 : vector<16x1xf32> to vector<16x512xf32>
    %add3A_976 = arith.addf %add3A_971, %add3A_975 : vector<16x512xf32>
    %lt3A_977 = arith.cmpf olt, %add3A_976, %select_n3A_962 : vector<16x512xf32>
    %select_n3A_978 = arith.select %lt3A_977, %add3A_976, %select_n3A_962 : vector<16x512xi1>, vector<16x512xf32>
    %add3A_979 = arith.constant 960 : i32
    %add3A_980 = vector.broadcast %add3A_979 : i32 to vector<16x512xi32>
    %add3A_981 = arith.addi %iota3A, %add3A_980 : vector<16x512xi32>
    %select_n3A_982 = arith.select %lt3A_977, %add3A_981, %select_n3A_966 : vector<16x512xi1>, vector<16x512xi32>
    %get3A_983 = arith.constant 976 : index
    %get3A_984 = arith.constant 0 : index
    %get3A_985 = vector.load %arg7[%get3A_983, %get3A_984] : memref<2048x512xf32, #tpu.memory_space<vmem>>, vector<16x512xf32>
    %add3A_986 = vector.broadcast %dot_general3A_8 : vector<1x512xf32> to vector<16x512xf32>
    %add3A_987 = arith.addf %add3A_986, %get3A_985 : vector<16x512xf32>
    %get3A_988 = arith.constant 976 : index
    %get3A_989 = arith.constant 0 : index
    %get3A_990 = vector.load %arg6[%get3A_988, %get3A_989] : memref<2048x1xf32, #tpu.memory_space<vmem>>, vector<16x1xf32>
    %add3A_991 = vector.broadcast %get3A_990 : vector<16x1xf32> to vector<16x512xf32>
    %add3A_992 = arith.addf %add3A_987, %add3A_991 : vector<16x512xf32>
    %lt3A_993 = arith.cmpf olt, %add3A_992, %select_n3A_978 : vector<16x512xf32>
    %select_n3A_994 = arith.select %lt3A_993, %add3A_992, %select_n3A_978 : vector<16x512xi1>, vector<16x512xf32>
    %add3A_995 = arith.constant 976 : i32
    %add3A_996 = vector.broadcast %add3A_995 : i32 to vector<16x512xi32>
    %add3A_997 = arith.addi %iota3A, %add3A_996 : vector<16x512xi32>
    %select_n3A_998 = arith.select %lt3A_993, %add3A_997, %select_n3A_982 : vector<16x512xi1>, vector<16x512xi32>
    %get3A_999 = arith.constant 992 : index
    %get3A_1000 = arith.constant 0 : index
    %get3A_1001 = vector.load %arg7[%get3A_999, %get3A_1000] : memref<2048x512xf32, #tpu.memory_space<vmem>>, vector<16x512xf32>
    %add3A_1002 = vector.broadcast %dot_general3A_8 : vector<1x512xf32> to vector<16x512xf32>
    %add3A_1003 = arith.addf %add3A_1002, %get3A_1001 : vector<16x512xf32>
    %get3A_1004 = arith.constant 992 : index
    %get3A_1005 = arith.constant 0 : index
    %get3A_1006 = vector.load %arg6[%get3A_1004, %get3A_1005] : memref<2048x1xf32, #tpu.memory_space<vmem>>, vector<16x1xf32>
    %add3A_1007 = vector.broadcast %get3A_1006 : vector<16x1xf32> to vector<16x512xf32>
    %add3A_1008 = arith.addf %add3A_1003, %add3A_1007 : vector<16x512xf32>
    %lt3A_1009 = arith.cmpf olt, %add3A_1008, %select_n3A_994 : vector<16x512xf32>
    %select_n3A_1010 = arith.select %lt3A_1009, %add3A_1008, %select_n3A_994 : vector<16x512xi1>, vector<16x512xf32>
    %add3A_1011 = arith.constant 992 : i32
    %add3A_1012 = vector.broadcast %add3A_1011 : i32 to vector<16x512xi32>
    %add3A_1013 = arith.addi %iota3A, %add3A_1012 : vector<16x512xi32>
    %select_n3A_1014 = arith.select %lt3A_1009, %add3A_1013, %select_n3A_998 : vector<16x512xi1>, vector<16x512xi32>
    %get3A_1015 = arith.constant 1008 : index
    %get3A_1016 = arith.constant 0 : index
    %get3A_1017 = vector.load %arg7[%get3A_1015, %get3A_1016] : memref<2048x512xf32, #tpu.memory_space<vmem>>, vector<16x512xf32>
    %add3A_1018 = vector.broadcast %dot_general3A_8 : vector<1x512xf32> to vector<16x512xf32>
    %add3A_1019 = arith.addf %add3A_1018, %get3A_1017 : vector<16x512xf32>
    %get3A_1020 = arith.constant 1008 : index
    %get3A_1021 = arith.constant 0 : index
    %get3A_1022 = vector.load %arg6[%get3A_1020, %get3A_1021] : memref<2048x1xf32, #tpu.memory_space<vmem>>, vector<16x1xf32>
    %add3A_1023 = vector.broadcast %get3A_1022 : vector<16x1xf32> to vector<16x512xf32>
    %add3A_1024 = arith.addf %add3A_1019, %add3A_1023 : vector<16x512xf32>
    %lt3A_1025 = arith.cmpf olt, %add3A_1024, %select_n3A_1010 : vector<16x512xf32>
    %select_n3A_1026 = arith.select %lt3A_1025, %add3A_1024, %select_n3A_1010 : vector<16x512xi1>, vector<16x512xf32>
    %add3A_1027 = arith.constant 1008 : i32
    %add3A_1028 = vector.broadcast %add3A_1027 : i32 to vector<16x512xi32>
    %add3A_1029 = arith.addi %iota3A, %add3A_1028 : vector<16x512xi32>
    %select_n3A_1030 = arith.select %lt3A_1025, %add3A_1029, %select_n3A_1014 : vector<16x512xi1>, vector<16x512xi32>
    %get3A_1031 = arith.constant 1024 : index
    %get3A_1032 = arith.constant 0 : index
    %get3A_1033 = vector.load %arg7[%get3A_1031, %get3A_1032] : memref<2048x512xf32, #tpu.memory_space<vmem>>, vector<16x512xf32>
    %add3A_1034 = vector.broadcast %dot_general3A_8 : vector<1x512xf32> to vector<16x512xf32>
    %add3A_1035 = arith.addf %add3A_1034, %get3A_1033 : vector<16x512xf32>
    %get3A_1036 = arith.constant 1024 : index
    %get3A_1037 = arith.constant 0 : index
    %get3A_1038 = vector.load %arg6[%get3A_1036, %get3A_1037] : memref<2048x1xf32, #tpu.memory_space<vmem>>, vector<16x1xf32>
    %add3A_1039 = vector.broadcast %get3A_1038 : vector<16x1xf32> to vector<16x512xf32>
    %add3A_1040 = arith.addf %add3A_1035, %add3A_1039 : vector<16x512xf32>
    %lt3A_1041 = arith.cmpf olt, %add3A_1040, %select_n3A_1026 : vector<16x512xf32>
    %select_n3A_1042 = arith.select %lt3A_1041, %add3A_1040, %select_n3A_1026 : vector<16x512xi1>, vector<16x512xf32>
    %add3A_1043 = arith.constant 1024 : i32
    %add3A_1044 = vector.broadcast %add3A_1043 : i32 to vector<16x512xi32>
    %add3A_1045 = arith.addi %iota3A, %add3A_1044 : vector<16x512xi32>
    %select_n3A_1046 = arith.select %lt3A_1041, %add3A_1045, %select_n3A_1030 : vector<16x512xi1>, vector<16x512xi32>
    %get3A_1047 = arith.constant 1040 : index
    %get3A_1048 = arith.constant 0 : index
    %get3A_1049 = vector.load %arg7[%get3A_1047, %get3A_1048] : memref<2048x512xf32, #tpu.memory_space<vmem>>, vector<16x512xf32>
    %add3A_1050 = vector.broadcast %dot_general3A_8 : vector<1x512xf32> to vector<16x512xf32>
    %add3A_1051 = arith.addf %add3A_1050, %get3A_1049 : vector<16x512xf32>
    %get3A_1052 = arith.constant 1040 : index
    %get3A_1053 = arith.constant 0 : index
    %get3A_1054 = vector.load %arg6[%get3A_1052, %get3A_1053] : memref<2048x1xf32, #tpu.memory_space<vmem>>, vector<16x1xf32>
    %add3A_1055 = vector.broadcast %get3A_1054 : vector<16x1xf32> to vector<16x512xf32>
    %add3A_1056 = arith.addf %add3A_1051, %add3A_1055 : vector<16x512xf32>
    %lt3A_1057 = arith.cmpf olt, %add3A_1056, %select_n3A_1042 : vector<16x512xf32>
    %select_n3A_1058 = arith.select %lt3A_1057, %add3A_1056, %select_n3A_1042 : vector<16x512xi1>, vector<16x512xf32>
    %add3A_1059 = arith.constant 1040 : i32
    %add3A_1060 = vector.broadcast %add3A_1059 : i32 to vector<16x512xi32>
    %add3A_1061 = arith.addi %iota3A, %add3A_1060 : vector<16x512xi32>
    %select_n3A_1062 = arith.select %lt3A_1057, %add3A_1061, %select_n3A_1046 : vector<16x512xi1>, vector<16x512xi32>
    %get3A_1063 = arith.constant 1056 : index
    %get3A_1064 = arith.constant 0 : index
    %get3A_1065 = vector.load %arg7[%get3A_1063, %get3A_1064] : memref<2048x512xf32, #tpu.memory_space<vmem>>, vector<16x512xf32>
    %add3A_1066 = vector.broadcast %dot_general3A_8 : vector<1x512xf32> to vector<16x512xf32>
    %add3A_1067 = arith.addf %add3A_1066, %get3A_1065 : vector<16x512xf32>
    %get3A_1068 = arith.constant 1056 : index
    %get3A_1069 = arith.constant 0 : index
    %get3A_1070 = vector.load %arg6[%get3A_1068, %get3A_1069] : memref<2048x1xf32, #tpu.memory_space<vmem>>, vector<16x1xf32>
    %add3A_1071 = vector.broadcast %get3A_1070 : vector<16x1xf32> to vector<16x512xf32>
    %add3A_1072 = arith.addf %add3A_1067, %add3A_1071 : vector<16x512xf32>
    %lt3A_1073 = arith.cmpf olt, %add3A_1072, %select_n3A_1058 : vector<16x512xf32>
    %select_n3A_1074 = arith.select %lt3A_1073, %add3A_1072, %select_n3A_1058 : vector<16x512xi1>, vector<16x512xf32>
    %add3A_1075 = arith.constant 1056 : i32
    %add3A_1076 = vector.broadcast %add3A_1075 : i32 to vector<16x512xi32>
    %add3A_1077 = arith.addi %iota3A, %add3A_1076 : vector<16x512xi32>
    %select_n3A_1078 = arith.select %lt3A_1073, %add3A_1077, %select_n3A_1062 : vector<16x512xi1>, vector<16x512xi32>
    %get3A_1079 = arith.constant 1072 : index
    %get3A_1080 = arith.constant 0 : index
    %get3A_1081 = vector.load %arg7[%get3A_1079, %get3A_1080] : memref<2048x512xf32, #tpu.memory_space<vmem>>, vector<16x512xf32>
    %add3A_1082 = vector.broadcast %dot_general3A_8 : vector<1x512xf32> to vector<16x512xf32>
    %add3A_1083 = arith.addf %add3A_1082, %get3A_1081 : vector<16x512xf32>
    %get3A_1084 = arith.constant 1072 : index
    %get3A_1085 = arith.constant 0 : index
    %get3A_1086 = vector.load %arg6[%get3A_1084, %get3A_1085] : memref<2048x1xf32, #tpu.memory_space<vmem>>, vector<16x1xf32>
    %add3A_1087 = vector.broadcast %get3A_1086 : vector<16x1xf32> to vector<16x512xf32>
    %add3A_1088 = arith.addf %add3A_1083, %add3A_1087 : vector<16x512xf32>
    %lt3A_1089 = arith.cmpf olt, %add3A_1088, %select_n3A_1074 : vector<16x512xf32>
    %select_n3A_1090 = arith.select %lt3A_1089, %add3A_1088, %select_n3A_1074 : vector<16x512xi1>, vector<16x512xf32>
    %add3A_1091 = arith.constant 1072 : i32
    %add3A_1092 = vector.broadcast %add3A_1091 : i32 to vector<16x512xi32>
    %add3A_1093 = arith.addi %iota3A, %add3A_1092 : vector<16x512xi32>
    %select_n3A_1094 = arith.select %lt3A_1089, %add3A_1093, %select_n3A_1078 : vector<16x512xi1>, vector<16x512xi32>
    %get3A_1095 = arith.constant 1088 : index
    %get3A_1096 = arith.constant 0 : index
    %get3A_1097 = vector.load %arg7[%get3A_1095, %get3A_1096] : memref<2048x512xf32, #tpu.memory_space<vmem>>, vector<16x512xf32>
    %add3A_1098 = vector.broadcast %dot_general3A_8 : vector<1x512xf32> to vector<16x512xf32>
    %add3A_1099 = arith.addf %add3A_1098, %get3A_1097 : vector<16x512xf32>
    %get3A_1100 = arith.constant 1088 : index
    %get3A_1101 = arith.constant 0 : index
    %get3A_1102 = vector.load %arg6[%get3A_1100, %get3A_1101] : memref<2048x1xf32, #tpu.memory_space<vmem>>, vector<16x1xf32>
    %add3A_1103 = vector.broadcast %get3A_1102 : vector<16x1xf32> to vector<16x512xf32>
    %add3A_1104 = arith.addf %add3A_1099, %add3A_1103 : vector<16x512xf32>
    %lt3A_1105 = arith.cmpf olt, %add3A_1104, %select_n3A_1090 : vector<16x512xf32>
    %select_n3A_1106 = arith.select %lt3A_1105, %add3A_1104, %select_n3A_1090 : vector<16x512xi1>, vector<16x512xf32>
    %add3A_1107 = arith.constant 1088 : i32
    %add3A_1108 = vector.broadcast %add3A_1107 : i32 to vector<16x512xi32>
    %add3A_1109 = arith.addi %iota3A, %add3A_1108 : vector<16x512xi32>
    %select_n3A_1110 = arith.select %lt3A_1105, %add3A_1109, %select_n3A_1094 : vector<16x512xi1>, vector<16x512xi32>
    %get3A_1111 = arith.constant 1104 : index
    %get3A_1112 = arith.constant 0 : index
    %get3A_1113 = vector.load %arg7[%get3A_1111, %get3A_1112] : memref<2048x512xf32, #tpu.memory_space<vmem>>, vector<16x512xf32>
    %add3A_1114 = vector.broadcast %dot_general3A_8 : vector<1x512xf32> to vector<16x512xf32>
    %add3A_1115 = arith.addf %add3A_1114, %get3A_1113 : vector<16x512xf32>
    %get3A_1116 = arith.constant 1104 : index
    %get3A_1117 = arith.constant 0 : index
    %get3A_1118 = vector.load %arg6[%get3A_1116, %get3A_1117] : memref<2048x1xf32, #tpu.memory_space<vmem>>, vector<16x1xf32>
    %add3A_1119 = vector.broadcast %get3A_1118 : vector<16x1xf32> to vector<16x512xf32>
    %add3A_1120 = arith.addf %add3A_1115, %add3A_1119 : vector<16x512xf32>
    %lt3A_1121 = arith.cmpf olt, %add3A_1120, %select_n3A_1106 : vector<16x512xf32>
    %select_n3A_1122 = arith.select %lt3A_1121, %add3A_1120, %select_n3A_1106 : vector<16x512xi1>, vector<16x512xf32>
    %add3A_1123 = arith.constant 1104 : i32
    %add3A_1124 = vector.broadcast %add3A_1123 : i32 to vector<16x512xi32>
    %add3A_1125 = arith.addi %iota3A, %add3A_1124 : vector<16x512xi32>
    %select_n3A_1126 = arith.select %lt3A_1121, %add3A_1125, %select_n3A_1110 : vector<16x512xi1>, vector<16x512xi32>
    %get3A_1127 = arith.constant 1120 : index
    %get3A_1128 = arith.constant 0 : index
    %get3A_1129 = vector.load %arg7[%get3A_1127, %get3A_1128] : memref<2048x512xf32, #tpu.memory_space<vmem>>, vector<16x512xf32>
    %add3A_1130 = vector.broadcast %dot_general3A_8 : vector<1x512xf32> to vector<16x512xf32>
    %add3A_1131 = arith.addf %add3A_1130, %get3A_1129 : vector<16x512xf32>
    %get3A_1132 = arith.constant 1120 : index
    %get3A_1133 = arith.constant 0 : index
    %get3A_1134 = vector.load %arg6[%get3A_1132, %get3A_1133] : memref<2048x1xf32, #tpu.memory_space<vmem>>, vector<16x1xf32>
    %add3A_1135 = vector.broadcast %get3A_1134 : vector<16x1xf32> to vector<16x512xf32>
    %add3A_1136 = arith.addf %add3A_1131, %add3A_1135 : vector<16x512xf32>
    %lt3A_1137 = arith.cmpf olt, %add3A_1136, %select_n3A_1122 : vector<16x512xf32>
    %select_n3A_1138 = arith.select %lt3A_1137, %add3A_1136, %select_n3A_1122 : vector<16x512xi1>, vector<16x512xf32>
    %add3A_1139 = arith.constant 1120 : i32
    %add3A_1140 = vector.broadcast %add3A_1139 : i32 to vector<16x512xi32>
    %add3A_1141 = arith.addi %iota3A, %add3A_1140 : vector<16x512xi32>
    %select_n3A_1142 = arith.select %lt3A_1137, %add3A_1141, %select_n3A_1126 : vector<16x512xi1>, vector<16x512xi32>
    %get3A_1143 = arith.constant 1136 : index
    %get3A_1144 = arith.constant 0 : index
    %get3A_1145 = vector.load %arg7[%get3A_1143, %get3A_1144] : memref<2048x512xf32, #tpu.memory_space<vmem>>, vector<16x512xf32>
    %add3A_1146 = vector.broadcast %dot_general3A_8 : vector<1x512xf32> to vector<16x512xf32>
    %add3A_1147 = arith.addf %add3A_1146, %get3A_1145 : vector<16x512xf32>
    %get3A_1148 = arith.constant 1136 : index
    %get3A_1149 = arith.constant 0 : index
    %get3A_1150 = vector.load %arg6[%get3A_1148, %get3A_1149] : memref<2048x1xf32, #tpu.memory_space<vmem>>, vector<16x1xf32>
    %add3A_1151 = vector.broadcast %get3A_1150 : vector<16x1xf32> to vector<16x512xf32>
    %add3A_1152 = arith.addf %add3A_1147, %add3A_1151 : vector<16x512xf32>
    %lt3A_1153 = arith.cmpf olt, %add3A_1152, %select_n3A_1138 : vector<16x512xf32>
    %select_n3A_1154 = arith.select %lt3A_1153, %add3A_1152, %select_n3A_1138 : vector<16x512xi1>, vector<16x512xf32>
    %add3A_1155 = arith.constant 1136 : i32
    %add3A_1156 = vector.broadcast %add3A_1155 : i32 to vector<16x512xi32>
    %add3A_1157 = arith.addi %iota3A, %add3A_1156 : vector<16x512xi32>
    %select_n3A_1158 = arith.select %lt3A_1153, %add3A_1157, %select_n3A_1142 : vector<16x512xi1>, vector<16x512xi32>
    %get3A_1159 = arith.constant 1152 : index
    %get3A_1160 = arith.constant 0 : index
    %get3A_1161 = vector.load %arg7[%get3A_1159, %get3A_1160] : memref<2048x512xf32, #tpu.memory_space<vmem>>, vector<16x512xf32>
    %add3A_1162 = vector.broadcast %dot_general3A_8 : vector<1x512xf32> to vector<16x512xf32>
    %add3A_1163 = arith.addf %add3A_1162, %get3A_1161 : vector<16x512xf32>
    %get3A_1164 = arith.constant 1152 : index
    %get3A_1165 = arith.constant 0 : index
    %get3A_1166 = vector.load %arg6[%get3A_1164, %get3A_1165] : memref<2048x1xf32, #tpu.memory_space<vmem>>, vector<16x1xf32>
    %add3A_1167 = vector.broadcast %get3A_1166 : vector<16x1xf32> to vector<16x512xf32>
    %add3A_1168 = arith.addf %add3A_1163, %add3A_1167 : vector<16x512xf32>
    %lt3A_1169 = arith.cmpf olt, %add3A_1168, %select_n3A_1154 : vector<16x512xf32>
    %select_n3A_1170 = arith.select %lt3A_1169, %add3A_1168, %select_n3A_1154 : vector<16x512xi1>, vector<16x512xf32>
    %add3A_1171 = arith.constant 1152 : i32
    %add3A_1172 = vector.broadcast %add3A_1171 : i32 to vector<16x512xi32>
    %add3A_1173 = arith.addi %iota3A, %add3A_1172 : vector<16x512xi32>
    %select_n3A_1174 = arith.select %lt3A_1169, %add3A_1173, %select_n3A_1158 : vector<16x512xi1>, vector<16x512xi32>
    %get3A_1175 = arith.constant 1168 : index
    %get3A_1176 = arith.constant 0 : index
    %get3A_1177 = vector.load %arg7[%get3A_1175, %get3A_1176] : memref<2048x512xf32, #tpu.memory_space<vmem>>, vector<16x512xf32>
    %add3A_1178 = vector.broadcast %dot_general3A_8 : vector<1x512xf32> to vector<16x512xf32>
    %add3A_1179 = arith.addf %add3A_1178, %get3A_1177 : vector<16x512xf32>
    %get3A_1180 = arith.constant 1168 : index
    %get3A_1181 = arith.constant 0 : index
    %get3A_1182 = vector.load %arg6[%get3A_1180, %get3A_1181] : memref<2048x1xf32, #tpu.memory_space<vmem>>, vector<16x1xf32>
    %add3A_1183 = vector.broadcast %get3A_1182 : vector<16x1xf32> to vector<16x512xf32>
    %add3A_1184 = arith.addf %add3A_1179, %add3A_1183 : vector<16x512xf32>
    %lt3A_1185 = arith.cmpf olt, %add3A_1184, %select_n3A_1170 : vector<16x512xf32>
    %select_n3A_1186 = arith.select %lt3A_1185, %add3A_1184, %select_n3A_1170 : vector<16x512xi1>, vector<16x512xf32>
    %add3A_1187 = arith.constant 1168 : i32
    %add3A_1188 = vector.broadcast %add3A_1187 : i32 to vector<16x512xi32>
    %add3A_1189 = arith.addi %iota3A, %add3A_1188 : vector<16x512xi32>
    %select_n3A_1190 = arith.select %lt3A_1185, %add3A_1189, %select_n3A_1174 : vector<16x512xi1>, vector<16x512xi32>
    %get3A_1191 = arith.constant 1184 : index
    %get3A_1192 = arith.constant 0 : index
    %get3A_1193 = vector.load %arg7[%get3A_1191, %get3A_1192] : memref<2048x512xf32, #tpu.memory_space<vmem>>, vector<16x512xf32>
    %add3A_1194 = vector.broadcast %dot_general3A_8 : vector<1x512xf32> to vector<16x512xf32>
    %add3A_1195 = arith.addf %add3A_1194, %get3A_1193 : vector<16x512xf32>
    %get3A_1196 = arith.constant 1184 : index
    %get3A_1197 = arith.constant 0 : index
    %get3A_1198 = vector.load %arg6[%get3A_1196, %get3A_1197] : memref<2048x1xf32, #tpu.memory_space<vmem>>, vector<16x1xf32>
    %add3A_1199 = vector.broadcast %get3A_1198 : vector<16x1xf32> to vector<16x512xf32>
    %add3A_1200 = arith.addf %add3A_1195, %add3A_1199 : vector<16x512xf32>
    %lt3A_1201 = arith.cmpf olt, %add3A_1200, %select_n3A_1186 : vector<16x512xf32>
    %select_n3A_1202 = arith.select %lt3A_1201, %add3A_1200, %select_n3A_1186 : vector<16x512xi1>, vector<16x512xf32>
    %add3A_1203 = arith.constant 1184 : i32
    %add3A_1204 = vector.broadcast %add3A_1203 : i32 to vector<16x512xi32>
    %add3A_1205 = arith.addi %iota3A, %add3A_1204 : vector<16x512xi32>
    %select_n3A_1206 = arith.select %lt3A_1201, %add3A_1205, %select_n3A_1190 : vector<16x512xi1>, vector<16x512xi32>
    %get3A_1207 = arith.constant 1200 : index
    %get3A_1208 = arith.constant 0 : index
    %get3A_1209 = vector.load %arg7[%get3A_1207, %get3A_1208] : memref<2048x512xf32, #tpu.memory_space<vmem>>, vector<16x512xf32>
    %add3A_1210 = vector.broadcast %dot_general3A_8 : vector<1x512xf32> to vector<16x512xf32>
    %add3A_1211 = arith.addf %add3A_1210, %get3A_1209 : vector<16x512xf32>
    %get3A_1212 = arith.constant 1200 : index
    %get3A_1213 = arith.constant 0 : index
    %get3A_1214 = vector.load %arg6[%get3A_1212, %get3A_1213] : memref<2048x1xf32, #tpu.memory_space<vmem>>, vector<16x1xf32>
    %add3A_1215 = vector.broadcast %get3A_1214 : vector<16x1xf32> to vector<16x512xf32>
    %add3A_1216 = arith.addf %add3A_1211, %add3A_1215 : vector<16x512xf32>
    %lt3A_1217 = arith.cmpf olt, %add3A_1216, %select_n3A_1202 : vector<16x512xf32>
    %select_n3A_1218 = arith.select %lt3A_1217, %add3A_1216, %select_n3A_1202 : vector<16x512xi1>, vector<16x512xf32>
    %add3A_1219 = arith.constant 1200 : i32
    %add3A_1220 = vector.broadcast %add3A_1219 : i32 to vector<16x512xi32>
    %add3A_1221 = arith.addi %iota3A, %add3A_1220 : vector<16x512xi32>
    %select_n3A_1222 = arith.select %lt3A_1217, %add3A_1221, %select_n3A_1206 : vector<16x512xi1>, vector<16x512xi32>
    %get3A_1223 = arith.constant 1216 : index
    %get3A_1224 = arith.constant 0 : index
    %get3A_1225 = vector.load %arg7[%get3A_1223, %get3A_1224] : memref<2048x512xf32, #tpu.memory_space<vmem>>, vector<16x512xf32>
    %add3A_1226 = vector.broadcast %dot_general3A_8 : vector<1x512xf32> to vector<16x512xf32>
    %add3A_1227 = arith.addf %add3A_1226, %get3A_1225 : vector<16x512xf32>
    %get3A_1228 = arith.constant 1216 : index
    %get3A_1229 = arith.constant 0 : index
    %get3A_1230 = vector.load %arg6[%get3A_1228, %get3A_1229] : memref<2048x1xf32, #tpu.memory_space<vmem>>, vector<16x1xf32>
    %add3A_1231 = vector.broadcast %get3A_1230 : vector<16x1xf32> to vector<16x512xf32>
    %add3A_1232 = arith.addf %add3A_1227, %add3A_1231 : vector<16x512xf32>
    %lt3A_1233 = arith.cmpf olt, %add3A_1232, %select_n3A_1218 : vector<16x512xf32>
    %select_n3A_1234 = arith.select %lt3A_1233, %add3A_1232, %select_n3A_1218 : vector<16x512xi1>, vector<16x512xf32>
    %add3A_1235 = arith.constant 1216 : i32
    %add3A_1236 = vector.broadcast %add3A_1235 : i32 to vector<16x512xi32>
    %add3A_1237 = arith.addi %iota3A, %add3A_1236 : vector<16x512xi32>
    %select_n3A_1238 = arith.select %lt3A_1233, %add3A_1237, %select_n3A_1222 : vector<16x512xi1>, vector<16x512xi32>
    %get3A_1239 = arith.constant 1232 : index
    %get3A_1240 = arith.constant 0 : index
    %get3A_1241 = vector.load %arg7[%get3A_1239, %get3A_1240] : memref<2048x512xf32, #tpu.memory_space<vmem>>, vector<16x512xf32>
    %add3A_1242 = vector.broadcast %dot_general3A_8 : vector<1x512xf32> to vector<16x512xf32>
    %add3A_1243 = arith.addf %add3A_1242, %get3A_1241 : vector<16x512xf32>
    %get3A_1244 = arith.constant 1232 : index
    %get3A_1245 = arith.constant 0 : index
    %get3A_1246 = vector.load %arg6[%get3A_1244, %get3A_1245] : memref<2048x1xf32, #tpu.memory_space<vmem>>, vector<16x1xf32>
    %add3A_1247 = vector.broadcast %get3A_1246 : vector<16x1xf32> to vector<16x512xf32>
    %add3A_1248 = arith.addf %add3A_1243, %add3A_1247 : vector<16x512xf32>
    %lt3A_1249 = arith.cmpf olt, %add3A_1248, %select_n3A_1234 : vector<16x512xf32>
    %select_n3A_1250 = arith.select %lt3A_1249, %add3A_1248, %select_n3A_1234 : vector<16x512xi1>, vector<16x512xf32>
    %add3A_1251 = arith.constant 1232 : i32
    %add3A_1252 = vector.broadcast %add3A_1251 : i32 to vector<16x512xi32>
    %add3A_1253 = arith.addi %iota3A, %add3A_1252 : vector<16x512xi32>
    %select_n3A_1254 = arith.select %lt3A_1249, %add3A_1253, %select_n3A_1238 : vector<16x512xi1>, vector<16x512xi32>
    %get3A_1255 = arith.constant 1248 : index
    %get3A_1256 = arith.constant 0 : index
    %get3A_1257 = vector.load %arg7[%get3A_1255, %get3A_1256] : memref<2048x512xf32, #tpu.memory_space<vmem>>, vector<16x512xf32>
    %add3A_1258 = vector.broadcast %dot_general3A_8 : vector<1x512xf32> to vector<16x512xf32>
    %add3A_1259 = arith.addf %add3A_1258, %get3A_1257 : vector<16x512xf32>
    %get3A_1260 = arith.constant 1248 : index
    %get3A_1261 = arith.constant 0 : index
    %get3A_1262 = vector.load %arg6[%get3A_1260, %get3A_1261] : memref<2048x1xf32, #tpu.memory_space<vmem>>, vector<16x1xf32>
    %add3A_1263 = vector.broadcast %get3A_1262 : vector<16x1xf32> to vector<16x512xf32>
    %add3A_1264 = arith.addf %add3A_1259, %add3A_1263 : vector<16x512xf32>
    %lt3A_1265 = arith.cmpf olt, %add3A_1264, %select_n3A_1250 : vector<16x512xf32>
    %select_n3A_1266 = arith.select %lt3A_1265, %add3A_1264, %select_n3A_1250 : vector<16x512xi1>, vector<16x512xf32>
    %add3A_1267 = arith.constant 1248 : i32
    %add3A_1268 = vector.broadcast %add3A_1267 : i32 to vector<16x512xi32>
    %add3A_1269 = arith.addi %iota3A, %add3A_1268 : vector<16x512xi32>
    %select_n3A_1270 = arith.select %lt3A_1265, %add3A_1269, %select_n3A_1254 : vector<16x512xi1>, vector<16x512xi32>
    %get3A_1271 = arith.constant 1264 : index
    %get3A_1272 = arith.constant 0 : index
    %get3A_1273 = vector.load %arg7[%get3A_1271, %get3A_1272] : memref<2048x512xf32, #tpu.memory_space<vmem>>, vector<16x512xf32>
    %add3A_1274 = vector.broadcast %dot_general3A_8 : vector<1x512xf32> to vector<16x512xf32>
    %add3A_1275 = arith.addf %add3A_1274, %get3A_1273 : vector<16x512xf32>
    %get3A_1276 = arith.constant 1264 : index
    %get3A_1277 = arith.constant 0 : index
    %get3A_1278 = vector.load %arg6[%get3A_1276, %get3A_1277] : memref<2048x1xf32, #tpu.memory_space<vmem>>, vector<16x1xf32>
    %add3A_1279 = vector.broadcast %get3A_1278 : vector<16x1xf32> to vector<16x512xf32>
    %add3A_1280 = arith.addf %add3A_1275, %add3A_1279 : vector<16x512xf32>
    %lt3A_1281 = arith.cmpf olt, %add3A_1280, %select_n3A_1266 : vector<16x512xf32>
    %select_n3A_1282 = arith.select %lt3A_1281, %add3A_1280, %select_n3A_1266 : vector<16x512xi1>, vector<16x512xf32>
    %add3A_1283 = arith.constant 1264 : i32
    %add3A_1284 = vector.broadcast %add3A_1283 : i32 to vector<16x512xi32>
    %add3A_1285 = arith.addi %iota3A, %add3A_1284 : vector<16x512xi32>
    %select_n3A_1286 = arith.select %lt3A_1281, %add3A_1285, %select_n3A_1270 : vector<16x512xi1>, vector<16x512xi32>
    %get3A_1287 = arith.constant 1280 : index
    %get3A_1288 = arith.constant 0 : index
    %get3A_1289 = vector.load %arg7[%get3A_1287, %get3A_1288] : memref<2048x512xf32, #tpu.memory_space<vmem>>, vector<16x512xf32>
    %add3A_1290 = vector.broadcast %dot_general3A_8 : vector<1x512xf32> to vector<16x512xf32>
    %add3A_1291 = arith.addf %add3A_1290, %get3A_1289 : vector<16x512xf32>
    %get3A_1292 = arith.constant 1280 : index
    %get3A_1293 = arith.constant 0 : index
    %get3A_1294 = vector.load %arg6[%get3A_1292, %get3A_1293] : memref<2048x1xf32, #tpu.memory_space<vmem>>, vector<16x1xf32>
    %add3A_1295 = vector.broadcast %get3A_1294 : vector<16x1xf32> to vector<16x512xf32>
    %add3A_1296 = arith.addf %add3A_1291, %add3A_1295 : vector<16x512xf32>
    %lt3A_1297 = arith.cmpf olt, %add3A_1296, %select_n3A_1282 : vector<16x512xf32>
    %select_n3A_1298 = arith.select %lt3A_1297, %add3A_1296, %select_n3A_1282 : vector<16x512xi1>, vector<16x512xf32>
    %add3A_1299 = arith.constant 1280 : i32
    %add3A_1300 = vector.broadcast %add3A_1299 : i32 to vector<16x512xi32>
    %add3A_1301 = arith.addi %iota3A, %add3A_1300 : vector<16x512xi32>
    %select_n3A_1302 = arith.select %lt3A_1297, %add3A_1301, %select_n3A_1286 : vector<16x512xi1>, vector<16x512xi32>
    %get3A_1303 = arith.constant 1296 : index
    %get3A_1304 = arith.constant 0 : index
    %get3A_1305 = vector.load %arg7[%get3A_1303, %get3A_1304] : memref<2048x512xf32, #tpu.memory_space<vmem>>, vector<16x512xf32>
    %add3A_1306 = vector.broadcast %dot_general3A_8 : vector<1x512xf32> to vector<16x512xf32>
    %add3A_1307 = arith.addf %add3A_1306, %get3A_1305 : vector<16x512xf32>
    %get3A_1308 = arith.constant 1296 : index
    %get3A_1309 = arith.constant 0 : index
    %get3A_1310 = vector.load %arg6[%get3A_1308, %get3A_1309] : memref<2048x1xf32, #tpu.memory_space<vmem>>, vector<16x1xf32>
    %add3A_1311 = vector.broadcast %get3A_1310 : vector<16x1xf32> to vector<16x512xf32>
    %add3A_1312 = arith.addf %add3A_1307, %add3A_1311 : vector<16x512xf32>
    %lt3A_1313 = arith.cmpf olt, %add3A_1312, %select_n3A_1298 : vector<16x512xf32>
    %select_n3A_1314 = arith.select %lt3A_1313, %add3A_1312, %select_n3A_1298 : vector<16x512xi1>, vector<16x512xf32>
    %add3A_1315 = arith.constant 1296 : i32
    %add3A_1316 = vector.broadcast %add3A_1315 : i32 to vector<16x512xi32>
    %add3A_1317 = arith.addi %iota3A, %add3A_1316 : vector<16x512xi32>
    %select_n3A_1318 = arith.select %lt3A_1313, %add3A_1317, %select_n3A_1302 : vector<16x512xi1>, vector<16x512xi32>
    %get3A_1319 = arith.constant 1312 : index
    %get3A_1320 = arith.constant 0 : index
    %get3A_1321 = vector.load %arg7[%get3A_1319, %get3A_1320] : memref<2048x512xf32, #tpu.memory_space<vmem>>, vector<16x512xf32>
    %add3A_1322 = vector.broadcast %dot_general3A_8 : vector<1x512xf32> to vector<16x512xf32>
    %add3A_1323 = arith.addf %add3A_1322, %get3A_1321 : vector<16x512xf32>
    %get3A_1324 = arith.constant 1312 : index
    %get3A_1325 = arith.constant 0 : index
    %get3A_1326 = vector.load %arg6[%get3A_1324, %get3A_1325] : memref<2048x1xf32, #tpu.memory_space<vmem>>, vector<16x1xf32>
    %add3A_1327 = vector.broadcast %get3A_1326 : vector<16x1xf32> to vector<16x512xf32>
    %add3A_1328 = arith.addf %add3A_1323, %add3A_1327 : vector<16x512xf32>
    %lt3A_1329 = arith.cmpf olt, %add3A_1328, %select_n3A_1314 : vector<16x512xf32>
    %select_n3A_1330 = arith.select %lt3A_1329, %add3A_1328, %select_n3A_1314 : vector<16x512xi1>, vector<16x512xf32>
    %add3A_1331 = arith.constant 1312 : i32
    %add3A_1332 = vector.broadcast %add3A_1331 : i32 to vector<16x512xi32>
    %add3A_1333 = arith.addi %iota3A, %add3A_1332 : vector<16x512xi32>
    %select_n3A_1334 = arith.select %lt3A_1329, %add3A_1333, %select_n3A_1318 : vector<16x512xi1>, vector<16x512xi32>
    %get3A_1335 = arith.constant 1328 : index
    %get3A_1336 = arith.constant 0 : index
    %get3A_1337 = vector.load %arg7[%get3A_1335, %get3A_1336] : memref<2048x512xf32, #tpu.memory_space<vmem>>, vector<16x512xf32>
    %add3A_1338 = vector.broadcast %dot_general3A_8 : vector<1x512xf32> to vector<16x512xf32>
    %add3A_1339 = arith.addf %add3A_1338, %get3A_1337 : vector<16x512xf32>
    %get3A_1340 = arith.constant 1328 : index
    %get3A_1341 = arith.constant 0 : index
    %get3A_1342 = vector.load %arg6[%get3A_1340, %get3A_1341] : memref<2048x1xf32, #tpu.memory_space<vmem>>, vector<16x1xf32>
    %add3A_1343 = vector.broadcast %get3A_1342 : vector<16x1xf32> to vector<16x512xf32>
    %add3A_1344 = arith.addf %add3A_1339, %add3A_1343 : vector<16x512xf32>
    %lt3A_1345 = arith.cmpf olt, %add3A_1344, %select_n3A_1330 : vector<16x512xf32>
    %select_n3A_1346 = arith.select %lt3A_1345, %add3A_1344, %select_n3A_1330 : vector<16x512xi1>, vector<16x512xf32>
    %add3A_1347 = arith.constant 1328 : i32
    %add3A_1348 = vector.broadcast %add3A_1347 : i32 to vector<16x512xi32>
    %add3A_1349 = arith.addi %iota3A, %add3A_1348 : vector<16x512xi32>
    %select_n3A_1350 = arith.select %lt3A_1345, %add3A_1349, %select_n3A_1334 : vector<16x512xi1>, vector<16x512xi32>
    %get3A_1351 = arith.constant 1344 : index
    %get3A_1352 = arith.constant 0 : index
    %get3A_1353 = vector.load %arg7[%get3A_1351, %get3A_1352] : memref<2048x512xf32, #tpu.memory_space<vmem>>, vector<16x512xf32>
    %add3A_1354 = vector.broadcast %dot_general3A_8 : vector<1x512xf32> to vector<16x512xf32>
    %add3A_1355 = arith.addf %add3A_1354, %get3A_1353 : vector<16x512xf32>
    %get3A_1356 = arith.constant 1344 : index
    %get3A_1357 = arith.constant 0 : index
    %get3A_1358 = vector.load %arg6[%get3A_1356, %get3A_1357] : memref<2048x1xf32, #tpu.memory_space<vmem>>, vector<16x1xf32>
    %add3A_1359 = vector.broadcast %get3A_1358 : vector<16x1xf32> to vector<16x512xf32>
    %add3A_1360 = arith.addf %add3A_1355, %add3A_1359 : vector<16x512xf32>
    %lt3A_1361 = arith.cmpf olt, %add3A_1360, %select_n3A_1346 : vector<16x512xf32>
    %select_n3A_1362 = arith.select %lt3A_1361, %add3A_1360, %select_n3A_1346 : vector<16x512xi1>, vector<16x512xf32>
    %add3A_1363 = arith.constant 1344 : i32
    %add3A_1364 = vector.broadcast %add3A_1363 : i32 to vector<16x512xi32>
    %add3A_1365 = arith.addi %iota3A, %add3A_1364 : vector<16x512xi32>
    %select_n3A_1366 = arith.select %lt3A_1361, %add3A_1365, %select_n3A_1350 : vector<16x512xi1>, vector<16x512xi32>
    %get3A_1367 = arith.constant 1360 : index
    %get3A_1368 = arith.constant 0 : index
    %get3A_1369 = vector.load %arg7[%get3A_1367, %get3A_1368] : memref<2048x512xf32, #tpu.memory_space<vmem>>, vector<16x512xf32>
    %add3A_1370 = vector.broadcast %dot_general3A_8 : vector<1x512xf32> to vector<16x512xf32>
    %add3A_1371 = arith.addf %add3A_1370, %get3A_1369 : vector<16x512xf32>
    %get3A_1372 = arith.constant 1360 : index
    %get3A_1373 = arith.constant 0 : index
    %get3A_1374 = vector.load %arg6[%get3A_1372, %get3A_1373] : memref<2048x1xf32, #tpu.memory_space<vmem>>, vector<16x1xf32>
    %add3A_1375 = vector.broadcast %get3A_1374 : vector<16x1xf32> to vector<16x512xf32>
    %add3A_1376 = arith.addf %add3A_1371, %add3A_1375 : vector<16x512xf32>
    %lt3A_1377 = arith.cmpf olt, %add3A_1376, %select_n3A_1362 : vector<16x512xf32>
    %select_n3A_1378 = arith.select %lt3A_1377, %add3A_1376, %select_n3A_1362 : vector<16x512xi1>, vector<16x512xf32>
    %add3A_1379 = arith.constant 1360 : i32
    %add3A_1380 = vector.broadcast %add3A_1379 : i32 to vector<16x512xi32>
    %add3A_1381 = arith.addi %iota3A, %add3A_1380 : vector<16x512xi32>
    %select_n3A_1382 = arith.select %lt3A_1377, %add3A_1381, %select_n3A_1366 : vector<16x512xi1>, vector<16x512xi32>
    %get3A_1383 = arith.constant 1376 : index
    %get3A_1384 = arith.constant 0 : index
    %get3A_1385 = vector.load %arg7[%get3A_1383, %get3A_1384] : memref<2048x512xf32, #tpu.memory_space<vmem>>, vector<16x512xf32>
    %add3A_1386 = vector.broadcast %dot_general3A_8 : vector<1x512xf32> to vector<16x512xf32>
    %add3A_1387 = arith.addf %add3A_1386, %get3A_1385 : vector<16x512xf32>
    %get3A_1388 = arith.constant 1376 : index
    %get3A_1389 = arith.constant 0 : index
    %get3A_1390 = vector.load %arg6[%get3A_1388, %get3A_1389] : memref<2048x1xf32, #tpu.memory_space<vmem>>, vector<16x1xf32>
    %add3A_1391 = vector.broadcast %get3A_1390 : vector<16x1xf32> to vector<16x512xf32>
    %add3A_1392 = arith.addf %add3A_1387, %add3A_1391 : vector<16x512xf32>
    %lt3A_1393 = arith.cmpf olt, %add3A_1392, %select_n3A_1378 : vector<16x512xf32>
    %select_n3A_1394 = arith.select %lt3A_1393, %add3A_1392, %select_n3A_1378 : vector<16x512xi1>, vector<16x512xf32>
    %add3A_1395 = arith.constant 1376 : i32
    %add3A_1396 = vector.broadcast %add3A_1395 : i32 to vector<16x512xi32>
    %add3A_1397 = arith.addi %iota3A, %add3A_1396 : vector<16x512xi32>
    %select_n3A_1398 = arith.select %lt3A_1393, %add3A_1397, %select_n3A_1382 : vector<16x512xi1>, vector<16x512xi32>
    %get3A_1399 = arith.constant 1392 : index
    %get3A_1400 = arith.constant 0 : index
    %get3A_1401 = vector.load %arg7[%get3A_1399, %get3A_1400] : memref<2048x512xf32, #tpu.memory_space<vmem>>, vector<16x512xf32>
    %add3A_1402 = vector.broadcast %dot_general3A_8 : vector<1x512xf32> to vector<16x512xf32>
    %add3A_1403 = arith.addf %add3A_1402, %get3A_1401 : vector<16x512xf32>
    %get3A_1404 = arith.constant 1392 : index
    %get3A_1405 = arith.constant 0 : index
    %get3A_1406 = vector.load %arg6[%get3A_1404, %get3A_1405] : memref<2048x1xf32, #tpu.memory_space<vmem>>, vector<16x1xf32>
    %add3A_1407 = vector.broadcast %get3A_1406 : vector<16x1xf32> to vector<16x512xf32>
    %add3A_1408 = arith.addf %add3A_1403, %add3A_1407 : vector<16x512xf32>
    %lt3A_1409 = arith.cmpf olt, %add3A_1408, %select_n3A_1394 : vector<16x512xf32>
    %select_n3A_1410 = arith.select %lt3A_1409, %add3A_1408, %select_n3A_1394 : vector<16x512xi1>, vector<16x512xf32>
    %add3A_1411 = arith.constant 1392 : i32
    %add3A_1412 = vector.broadcast %add3A_1411 : i32 to vector<16x512xi32>
    %add3A_1413 = arith.addi %iota3A, %add3A_1412 : vector<16x512xi32>
    %select_n3A_1414 = arith.select %lt3A_1409, %add3A_1413, %select_n3A_1398 : vector<16x512xi1>, vector<16x512xi32>
    %get3A_1415 = arith.constant 1408 : index
    %get3A_1416 = arith.constant 0 : index
    %get3A_1417 = vector.load %arg7[%get3A_1415, %get3A_1416] : memref<2048x512xf32, #tpu.memory_space<vmem>>, vector<16x512xf32>
    %add3A_1418 = vector.broadcast %dot_general3A_8 : vector<1x512xf32> to vector<16x512xf32>
    %add3A_1419 = arith.addf %add3A_1418, %get3A_1417 : vector<16x512xf32>
    %get3A_1420 = arith.constant 1408 : index
    %get3A_1421 = arith.constant 0 : index
    %get3A_1422 = vector.load %arg6[%get3A_1420, %get3A_1421] : memref<2048x1xf32, #tpu.memory_space<vmem>>, vector<16x1xf32>
    %add3A_1423 = vector.broadcast %get3A_1422 : vector<16x1xf32> to vector<16x512xf32>
    %add3A_1424 = arith.addf %add3A_1419, %add3A_1423 : vector<16x512xf32>
    %lt3A_1425 = arith.cmpf olt, %add3A_1424, %select_n3A_1410 : vector<16x512xf32>
    %select_n3A_1426 = arith.select %lt3A_1425, %add3A_1424, %select_n3A_1410 : vector<16x512xi1>, vector<16x512xf32>
    %add3A_1427 = arith.constant 1408 : i32
    %add3A_1428 = vector.broadcast %add3A_1427 : i32 to vector<16x512xi32>
    %add3A_1429 = arith.addi %iota3A, %add3A_1428 : vector<16x512xi32>
    %select_n3A_1430 = arith.select %lt3A_1425, %add3A_1429, %select_n3A_1414 : vector<16x512xi1>, vector<16x512xi32>
    %get3A_1431 = arith.constant 1424 : index
    %get3A_1432 = arith.constant 0 : index
    %get3A_1433 = vector.load %arg7[%get3A_1431, %get3A_1432] : memref<2048x512xf32, #tpu.memory_space<vmem>>, vector<16x512xf32>
    %add3A_1434 = vector.broadcast %dot_general3A_8 : vector<1x512xf32> to vector<16x512xf32>
    %add3A_1435 = arith.addf %add3A_1434, %get3A_1433 : vector<16x512xf32>
    %get3A_1436 = arith.constant 1424 : index
    %get3A_1437 = arith.constant 0 : index
    %get3A_1438 = vector.load %arg6[%get3A_1436, %get3A_1437] : memref<2048x1xf32, #tpu.memory_space<vmem>>, vector<16x1xf32>
    %add3A_1439 = vector.broadcast %get3A_1438 : vector<16x1xf32> to vector<16x512xf32>
    %add3A_1440 = arith.addf %add3A_1435, %add3A_1439 : vector<16x512xf32>
    %lt3A_1441 = arith.cmpf olt, %add3A_1440, %select_n3A_1426 : vector<16x512xf32>
    %select_n3A_1442 = arith.select %lt3A_1441, %add3A_1440, %select_n3A_1426 : vector<16x512xi1>, vector<16x512xf32>
    %add3A_1443 = arith.constant 1424 : i32
    %add3A_1444 = vector.broadcast %add3A_1443 : i32 to vector<16x512xi32>
    %add3A_1445 = arith.addi %iota3A, %add3A_1444 : vector<16x512xi32>
    %select_n3A_1446 = arith.select %lt3A_1441, %add3A_1445, %select_n3A_1430 : vector<16x512xi1>, vector<16x512xi32>
    %get3A_1447 = arith.constant 1440 : index
    %get3A_1448 = arith.constant 0 : index
    %get3A_1449 = vector.load %arg7[%get3A_1447, %get3A_1448] : memref<2048x512xf32, #tpu.memory_space<vmem>>, vector<16x512xf32>
    %add3A_1450 = vector.broadcast %dot_general3A_8 : vector<1x512xf32> to vector<16x512xf32>
    %add3A_1451 = arith.addf %add3A_1450, %get3A_1449 : vector<16x512xf32>
    %get3A_1452 = arith.constant 1440 : index
    %get3A_1453 = arith.constant 0 : index
    %get3A_1454 = vector.load %arg6[%get3A_1452, %get3A_1453] : memref<2048x1xf32, #tpu.memory_space<vmem>>, vector<16x1xf32>
    %add3A_1455 = vector.broadcast %get3A_1454 : vector<16x1xf32> to vector<16x512xf32>
    %add3A_1456 = arith.addf %add3A_1451, %add3A_1455 : vector<16x512xf32>
    %lt3A_1457 = arith.cmpf olt, %add3A_1456, %select_n3A_1442 : vector<16x512xf32>
    %select_n3A_1458 = arith.select %lt3A_1457, %add3A_1456, %select_n3A_1442 : vector<16x512xi1>, vector<16x512xf32>
    %add3A_1459 = arith.constant 1440 : i32
    %add3A_1460 = vector.broadcast %add3A_1459 : i32 to vector<16x512xi32>
    %add3A_1461 = arith.addi %iota3A, %add3A_1460 : vector<16x512xi32>
    %select_n3A_1462 = arith.select %lt3A_1457, %add3A_1461, %select_n3A_1446 : vector<16x512xi1>, vector<16x512xi32>
    %get3A_1463 = arith.constant 1456 : index
    %get3A_1464 = arith.constant 0 : index
    %get3A_1465 = vector.load %arg7[%get3A_1463, %get3A_1464] : memref<2048x512xf32, #tpu.memory_space<vmem>>, vector<16x512xf32>
    %add3A_1466 = vector.broadcast %dot_general3A_8 : vector<1x512xf32> to vector<16x512xf32>
    %add3A_1467 = arith.addf %add3A_1466, %get3A_1465 : vector<16x512xf32>
    %get3A_1468 = arith.constant 1456 : index
    %get3A_1469 = arith.constant 0 : index
    %get3A_1470 = vector.load %arg6[%get3A_1468, %get3A_1469] : memref<2048x1xf32, #tpu.memory_space<vmem>>, vector<16x1xf32>
    %add3A_1471 = vector.broadcast %get3A_1470 : vector<16x1xf32> to vector<16x512xf32>
    %add3A_1472 = arith.addf %add3A_1467, %add3A_1471 : vector<16x512xf32>
    %lt3A_1473 = arith.cmpf olt, %add3A_1472, %select_n3A_1458 : vector<16x512xf32>
    %select_n3A_1474 = arith.select %lt3A_1473, %add3A_1472, %select_n3A_1458 : vector<16x512xi1>, vector<16x512xf32>
    %add3A_1475 = arith.constant 1456 : i32
    %add3A_1476 = vector.broadcast %add3A_1475 : i32 to vector<16x512xi32>
    %add3A_1477 = arith.addi %iota3A, %add3A_1476 : vector<16x512xi32>
    %select_n3A_1478 = arith.select %lt3A_1473, %add3A_1477, %select_n3A_1462 : vector<16x512xi1>, vector<16x512xi32>
    %get3A_1479 = arith.constant 1472 : index
    %get3A_1480 = arith.constant 0 : index
    %get3A_1481 = vector.load %arg7[%get3A_1479, %get3A_1480] : memref<2048x512xf32, #tpu.memory_space<vmem>>, vector<16x512xf32>
    %add3A_1482 = vector.broadcast %dot_general3A_8 : vector<1x512xf32> to vector<16x512xf32>
    %add3A_1483 = arith.addf %add3A_1482, %get3A_1481 : vector<16x512xf32>
    %get3A_1484 = arith.constant 1472 : index
    %get3A_1485 = arith.constant 0 : index
    %get3A_1486 = vector.load %arg6[%get3A_1484, %get3A_1485] : memref<2048x1xf32, #tpu.memory_space<vmem>>, vector<16x1xf32>
    %add3A_1487 = vector.broadcast %get3A_1486 : vector<16x1xf32> to vector<16x512xf32>
    %add3A_1488 = arith.addf %add3A_1483, %add3A_1487 : vector<16x512xf32>
    %lt3A_1489 = arith.cmpf olt, %add3A_1488, %select_n3A_1474 : vector<16x512xf32>
    %select_n3A_1490 = arith.select %lt3A_1489, %add3A_1488, %select_n3A_1474 : vector<16x512xi1>, vector<16x512xf32>
    %add3A_1491 = arith.constant 1472 : i32
    %add3A_1492 = vector.broadcast %add3A_1491 : i32 to vector<16x512xi32>
    %add3A_1493 = arith.addi %iota3A, %add3A_1492 : vector<16x512xi32>
    %select_n3A_1494 = arith.select %lt3A_1489, %add3A_1493, %select_n3A_1478 : vector<16x512xi1>, vector<16x512xi32>
    %get3A_1495 = arith.constant 1488 : index
    %get3A_1496 = arith.constant 0 : index
    %get3A_1497 = vector.load %arg7[%get3A_1495, %get3A_1496] : memref<2048x512xf32, #tpu.memory_space<vmem>>, vector<16x512xf32>
    %add3A_1498 = vector.broadcast %dot_general3A_8 : vector<1x512xf32> to vector<16x512xf32>
    %add3A_1499 = arith.addf %add3A_1498, %get3A_1497 : vector<16x512xf32>
    %get3A_1500 = arith.constant 1488 : index
    %get3A_1501 = arith.constant 0 : index
    %get3A_1502 = vector.load %arg6[%get3A_1500, %get3A_1501] : memref<2048x1xf32, #tpu.memory_space<vmem>>, vector<16x1xf32>
    %add3A_1503 = vector.broadcast %get3A_1502 : vector<16x1xf32> to vector<16x512xf32>
    %add3A_1504 = arith.addf %add3A_1499, %add3A_1503 : vector<16x512xf32>
    %lt3A_1505 = arith.cmpf olt, %add3A_1504, %select_n3A_1490 : vector<16x512xf32>
    %select_n3A_1506 = arith.select %lt3A_1505, %add3A_1504, %select_n3A_1490 : vector<16x512xi1>, vector<16x512xf32>
    %add3A_1507 = arith.constant 1488 : i32
    %add3A_1508 = vector.broadcast %add3A_1507 : i32 to vector<16x512xi32>
    %add3A_1509 = arith.addi %iota3A, %add3A_1508 : vector<16x512xi32>
    %select_n3A_1510 = arith.select %lt3A_1505, %add3A_1509, %select_n3A_1494 : vector<16x512xi1>, vector<16x512xi32>
    %get3A_1511 = arith.constant 1504 : index
    %get3A_1512 = arith.constant 0 : index
    %get3A_1513 = vector.load %arg7[%get3A_1511, %get3A_1512] : memref<2048x512xf32, #tpu.memory_space<vmem>>, vector<16x512xf32>
    %add3A_1514 = vector.broadcast %dot_general3A_8 : vector<1x512xf32> to vector<16x512xf32>
    %add3A_1515 = arith.addf %add3A_1514, %get3A_1513 : vector<16x512xf32>
    %get3A_1516 = arith.constant 1504 : index
    %get3A_1517 = arith.constant 0 : index
    %get3A_1518 = vector.load %arg6[%get3A_1516, %get3A_1517] : memref<2048x1xf32, #tpu.memory_space<vmem>>, vector<16x1xf32>
    %add3A_1519 = vector.broadcast %get3A_1518 : vector<16x1xf32> to vector<16x512xf32>
    %add3A_1520 = arith.addf %add3A_1515, %add3A_1519 : vector<16x512xf32>
    %lt3A_1521 = arith.cmpf olt, %add3A_1520, %select_n3A_1506 : vector<16x512xf32>
    %select_n3A_1522 = arith.select %lt3A_1521, %add3A_1520, %select_n3A_1506 : vector<16x512xi1>, vector<16x512xf32>
    %add3A_1523 = arith.constant 1504 : i32
    %add3A_1524 = vector.broadcast %add3A_1523 : i32 to vector<16x512xi32>
    %add3A_1525 = arith.addi %iota3A, %add3A_1524 : vector<16x512xi32>
    %select_n3A_1526 = arith.select %lt3A_1521, %add3A_1525, %select_n3A_1510 : vector<16x512xi1>, vector<16x512xi32>
    %get3A_1527 = arith.constant 1520 : index
    %get3A_1528 = arith.constant 0 : index
    %get3A_1529 = vector.load %arg7[%get3A_1527, %get3A_1528] : memref<2048x512xf32, #tpu.memory_space<vmem>>, vector<16x512xf32>
    %add3A_1530 = vector.broadcast %dot_general3A_8 : vector<1x512xf32> to vector<16x512xf32>
    %add3A_1531 = arith.addf %add3A_1530, %get3A_1529 : vector<16x512xf32>
    %get3A_1532 = arith.constant 1520 : index
    %get3A_1533 = arith.constant 0 : index
    %get3A_1534 = vector.load %arg6[%get3A_1532, %get3A_1533] : memref<2048x1xf32, #tpu.memory_space<vmem>>, vector<16x1xf32>
    %add3A_1535 = vector.broadcast %get3A_1534 : vector<16x1xf32> to vector<16x512xf32>
    %add3A_1536 = arith.addf %add3A_1531, %add3A_1535 : vector<16x512xf32>
    %lt3A_1537 = arith.cmpf olt, %add3A_1536, %select_n3A_1522 : vector<16x512xf32>
    %select_n3A_1538 = arith.select %lt3A_1537, %add3A_1536, %select_n3A_1522 : vector<16x512xi1>, vector<16x512xf32>
    %add3A_1539 = arith.constant 1520 : i32
    %add3A_1540 = vector.broadcast %add3A_1539 : i32 to vector<16x512xi32>
    %add3A_1541 = arith.addi %iota3A, %add3A_1540 : vector<16x512xi32>
    %select_n3A_1542 = arith.select %lt3A_1537, %add3A_1541, %select_n3A_1526 : vector<16x512xi1>, vector<16x512xi32>
    %get3A_1543 = arith.constant 1536 : index
    %get3A_1544 = arith.constant 0 : index
    %get3A_1545 = vector.load %arg7[%get3A_1543, %get3A_1544] : memref<2048x512xf32, #tpu.memory_space<vmem>>, vector<16x512xf32>
    %add3A_1546 = vector.broadcast %dot_general3A_8 : vector<1x512xf32> to vector<16x512xf32>
    %add3A_1547 = arith.addf %add3A_1546, %get3A_1545 : vector<16x512xf32>
    %get3A_1548 = arith.constant 1536 : index
    %get3A_1549 = arith.constant 0 : index
    %get3A_1550 = vector.load %arg6[%get3A_1548, %get3A_1549] : memref<2048x1xf32, #tpu.memory_space<vmem>>, vector<16x1xf32>
    %add3A_1551 = vector.broadcast %get3A_1550 : vector<16x1xf32> to vector<16x512xf32>
    %add3A_1552 = arith.addf %add3A_1547, %add3A_1551 : vector<16x512xf32>
    %lt3A_1553 = arith.cmpf olt, %add3A_1552, %select_n3A_1538 : vector<16x512xf32>
    %select_n3A_1554 = arith.select %lt3A_1553, %add3A_1552, %select_n3A_1538 : vector<16x512xi1>, vector<16x512xf32>
    %add3A_1555 = arith.constant 1536 : i32
    %add3A_1556 = vector.broadcast %add3A_1555 : i32 to vector<16x512xi32>
    %add3A_1557 = arith.addi %iota3A, %add3A_1556 : vector<16x512xi32>
    %select_n3A_1558 = arith.select %lt3A_1553, %add3A_1557, %select_n3A_1542 : vector<16x512xi1>, vector<16x512xi32>
    %get3A_1559 = arith.constant 1552 : index
    %get3A_1560 = arith.constant 0 : index
    %get3A_1561 = vector.load %arg7[%get3A_1559, %get3A_1560] : memref<2048x512xf32, #tpu.memory_space<vmem>>, vector<16x512xf32>
    %add3A_1562 = vector.broadcast %dot_general3A_8 : vector<1x512xf32> to vector<16x512xf32>
    %add3A_1563 = arith.addf %add3A_1562, %get3A_1561 : vector<16x512xf32>
    %get3A_1564 = arith.constant 1552 : index
    %get3A_1565 = arith.constant 0 : index
    %get3A_1566 = vector.load %arg6[%get3A_1564, %get3A_1565] : memref<2048x1xf32, #tpu.memory_space<vmem>>, vector<16x1xf32>
    %add3A_1567 = vector.broadcast %get3A_1566 : vector<16x1xf32> to vector<16x512xf32>
    %add3A_1568 = arith.addf %add3A_1563, %add3A_1567 : vector<16x512xf32>
    %lt3A_1569 = arith.cmpf olt, %add3A_1568, %select_n3A_1554 : vector<16x512xf32>
    %select_n3A_1570 = arith.select %lt3A_1569, %add3A_1568, %select_n3A_1554 : vector<16x512xi1>, vector<16x512xf32>
    %add3A_1571 = arith.constant 1552 : i32
    %add3A_1572 = vector.broadcast %add3A_1571 : i32 to vector<16x512xi32>
    %add3A_1573 = arith.addi %iota3A, %add3A_1572 : vector<16x512xi32>
    %select_n3A_1574 = arith.select %lt3A_1569, %add3A_1573, %select_n3A_1558 : vector<16x512xi1>, vector<16x512xi32>
    %get3A_1575 = arith.constant 1568 : index
    %get3A_1576 = arith.constant 0 : index
    %get3A_1577 = vector.load %arg7[%get3A_1575, %get3A_1576] : memref<2048x512xf32, #tpu.memory_space<vmem>>, vector<16x512xf32>
    %add3A_1578 = vector.broadcast %dot_general3A_8 : vector<1x512xf32> to vector<16x512xf32>
    %add3A_1579 = arith.addf %add3A_1578, %get3A_1577 : vector<16x512xf32>
    %get3A_1580 = arith.constant 1568 : index
    %get3A_1581 = arith.constant 0 : index
    %get3A_1582 = vector.load %arg6[%get3A_1580, %get3A_1581] : memref<2048x1xf32, #tpu.memory_space<vmem>>, vector<16x1xf32>
    %add3A_1583 = vector.broadcast %get3A_1582 : vector<16x1xf32> to vector<16x512xf32>
    %add3A_1584 = arith.addf %add3A_1579, %add3A_1583 : vector<16x512xf32>
    %lt3A_1585 = arith.cmpf olt, %add3A_1584, %select_n3A_1570 : vector<16x512xf32>
    %select_n3A_1586 = arith.select %lt3A_1585, %add3A_1584, %select_n3A_1570 : vector<16x512xi1>, vector<16x512xf32>
    %add3A_1587 = arith.constant 1568 : i32
    %add3A_1588 = vector.broadcast %add3A_1587 : i32 to vector<16x512xi32>
    %add3A_1589 = arith.addi %iota3A, %add3A_1588 : vector<16x512xi32>
    %select_n3A_1590 = arith.select %lt3A_1585, %add3A_1589, %select_n3A_1574 : vector<16x512xi1>, vector<16x512xi32>
    %get3A_1591 = arith.constant 1584 : index
    %get3A_1592 = arith.constant 0 : index
    %get3A_1593 = vector.load %arg7[%get3A_1591, %get3A_1592] : memref<2048x512xf32, #tpu.memory_space<vmem>>, vector<16x512xf32>
    %add3A_1594 = vector.broadcast %dot_general3A_8 : vector<1x512xf32> to vector<16x512xf32>
    %add3A_1595 = arith.addf %add3A_1594, %get3A_1593 : vector<16x512xf32>
    %get3A_1596 = arith.constant 1584 : index
    %get3A_1597 = arith.constant 0 : index
    %get3A_1598 = vector.load %arg6[%get3A_1596, %get3A_1597] : memref<2048x1xf32, #tpu.memory_space<vmem>>, vector<16x1xf32>
    %add3A_1599 = vector.broadcast %get3A_1598 : vector<16x1xf32> to vector<16x512xf32>
    %add3A_1600 = arith.addf %add3A_1595, %add3A_1599 : vector<16x512xf32>
    %lt3A_1601 = arith.cmpf olt, %add3A_1600, %select_n3A_1586 : vector<16x512xf32>
    %select_n3A_1602 = arith.select %lt3A_1601, %add3A_1600, %select_n3A_1586 : vector<16x512xi1>, vector<16x512xf32>
    %add3A_1603 = arith.constant 1584 : i32
    %add3A_1604 = vector.broadcast %add3A_1603 : i32 to vector<16x512xi32>
    %add3A_1605 = arith.addi %iota3A, %add3A_1604 : vector<16x512xi32>
    %select_n3A_1606 = arith.select %lt3A_1601, %add3A_1605, %select_n3A_1590 : vector<16x512xi1>, vector<16x512xi32>
    %get3A_1607 = arith.constant 1600 : index
    %get3A_1608 = arith.constant 0 : index
    %get3A_1609 = vector.load %arg7[%get3A_1607, %get3A_1608] : memref<2048x512xf32, #tpu.memory_space<vmem>>, vector<16x512xf32>
    %add3A_1610 = vector.broadcast %dot_general3A_8 : vector<1x512xf32> to vector<16x512xf32>
    %add3A_1611 = arith.addf %add3A_1610, %get3A_1609 : vector<16x512xf32>
    %get3A_1612 = arith.constant 1600 : index
    %get3A_1613 = arith.constant 0 : index
    %get3A_1614 = vector.load %arg6[%get3A_1612, %get3A_1613] : memref<2048x1xf32, #tpu.memory_space<vmem>>, vector<16x1xf32>
    %add3A_1615 = vector.broadcast %get3A_1614 : vector<16x1xf32> to vector<16x512xf32>
    %add3A_1616 = arith.addf %add3A_1611, %add3A_1615 : vector<16x512xf32>
    %lt3A_1617 = arith.cmpf olt, %add3A_1616, %select_n3A_1602 : vector<16x512xf32>
    %select_n3A_1618 = arith.select %lt3A_1617, %add3A_1616, %select_n3A_1602 : vector<16x512xi1>, vector<16x512xf32>
    %add3A_1619 = arith.constant 1600 : i32
    %add3A_1620 = vector.broadcast %add3A_1619 : i32 to vector<16x512xi32>
    %add3A_1621 = arith.addi %iota3A, %add3A_1620 : vector<16x512xi32>
    %select_n3A_1622 = arith.select %lt3A_1617, %add3A_1621, %select_n3A_1606 : vector<16x512xi1>, vector<16x512xi32>
    %get3A_1623 = arith.constant 1616 : index
    %get3A_1624 = arith.constant 0 : index
    %get3A_1625 = vector.load %arg7[%get3A_1623, %get3A_1624] : memref<2048x512xf32, #tpu.memory_space<vmem>>, vector<16x512xf32>
    %add3A_1626 = vector.broadcast %dot_general3A_8 : vector<1x512xf32> to vector<16x512xf32>
    %add3A_1627 = arith.addf %add3A_1626, %get3A_1625 : vector<16x512xf32>
    %get3A_1628 = arith.constant 1616 : index
    %get3A_1629 = arith.constant 0 : index
    %get3A_1630 = vector.load %arg6[%get3A_1628, %get3A_1629] : memref<2048x1xf32, #tpu.memory_space<vmem>>, vector<16x1xf32>
    %add3A_1631 = vector.broadcast %get3A_1630 : vector<16x1xf32> to vector<16x512xf32>
    %add3A_1632 = arith.addf %add3A_1627, %add3A_1631 : vector<16x512xf32>
    %lt3A_1633 = arith.cmpf olt, %add3A_1632, %select_n3A_1618 : vector<16x512xf32>
    %select_n3A_1634 = arith.select %lt3A_1633, %add3A_1632, %select_n3A_1618 : vector<16x512xi1>, vector<16x512xf32>
    %add3A_1635 = arith.constant 1616 : i32
    %add3A_1636 = vector.broadcast %add3A_1635 : i32 to vector<16x512xi32>
    %add3A_1637 = arith.addi %iota3A, %add3A_1636 : vector<16x512xi32>
    %select_n3A_1638 = arith.select %lt3A_1633, %add3A_1637, %select_n3A_1622 : vector<16x512xi1>, vector<16x512xi32>
    %get3A_1639 = arith.constant 1632 : index
    %get3A_1640 = arith.constant 0 : index
    %get3A_1641 = vector.load %arg7[%get3A_1639, %get3A_1640] : memref<2048x512xf32, #tpu.memory_space<vmem>>, vector<16x512xf32>
    %add3A_1642 = vector.broadcast %dot_general3A_8 : vector<1x512xf32> to vector<16x512xf32>
    %add3A_1643 = arith.addf %add3A_1642, %get3A_1641 : vector<16x512xf32>
    %get3A_1644 = arith.constant 1632 : index
    %get3A_1645 = arith.constant 0 : index
    %get3A_1646 = vector.load %arg6[%get3A_1644, %get3A_1645] : memref<2048x1xf32, #tpu.memory_space<vmem>>, vector<16x1xf32>
    %add3A_1647 = vector.broadcast %get3A_1646 : vector<16x1xf32> to vector<16x512xf32>
    %add3A_1648 = arith.addf %add3A_1643, %add3A_1647 : vector<16x512xf32>
    %lt3A_1649 = arith.cmpf olt, %add3A_1648, %select_n3A_1634 : vector<16x512xf32>
    %select_n3A_1650 = arith.select %lt3A_1649, %add3A_1648, %select_n3A_1634 : vector<16x512xi1>, vector<16x512xf32>
    %add3A_1651 = arith.constant 1632 : i32
    %add3A_1652 = vector.broadcast %add3A_1651 : i32 to vector<16x512xi32>
    %add3A_1653 = arith.addi %iota3A, %add3A_1652 : vector<16x512xi32>
    %select_n3A_1654 = arith.select %lt3A_1649, %add3A_1653, %select_n3A_1638 : vector<16x512xi1>, vector<16x512xi32>
    %get3A_1655 = arith.constant 1648 : index
    %get3A_1656 = arith.constant 0 : index
    %get3A_1657 = vector.load %arg7[%get3A_1655, %get3A_1656] : memref<2048x512xf32, #tpu.memory_space<vmem>>, vector<16x512xf32>
    %add3A_1658 = vector.broadcast %dot_general3A_8 : vector<1x512xf32> to vector<16x512xf32>
    %add3A_1659 = arith.addf %add3A_1658, %get3A_1657 : vector<16x512xf32>
    %get3A_1660 = arith.constant 1648 : index
    %get3A_1661 = arith.constant 0 : index
    %get3A_1662 = vector.load %arg6[%get3A_1660, %get3A_1661] : memref<2048x1xf32, #tpu.memory_space<vmem>>, vector<16x1xf32>
    %add3A_1663 = vector.broadcast %get3A_1662 : vector<16x1xf32> to vector<16x512xf32>
    %add3A_1664 = arith.addf %add3A_1659, %add3A_1663 : vector<16x512xf32>
    %lt3A_1665 = arith.cmpf olt, %add3A_1664, %select_n3A_1650 : vector<16x512xf32>
    %select_n3A_1666 = arith.select %lt3A_1665, %add3A_1664, %select_n3A_1650 : vector<16x512xi1>, vector<16x512xf32>
    %add3A_1667 = arith.constant 1648 : i32
    %add3A_1668 = vector.broadcast %add3A_1667 : i32 to vector<16x512xi32>
    %add3A_1669 = arith.addi %iota3A, %add3A_1668 : vector<16x512xi32>
    %select_n3A_1670 = arith.select %lt3A_1665, %add3A_1669, %select_n3A_1654 : vector<16x512xi1>, vector<16x512xi32>
    %get3A_1671 = arith.constant 1664 : index
    %get3A_1672 = arith.constant 0 : index
    %get3A_1673 = vector.load %arg7[%get3A_1671, %get3A_1672] : memref<2048x512xf32, #tpu.memory_space<vmem>>, vector<16x512xf32>
    %add3A_1674 = vector.broadcast %dot_general3A_8 : vector<1x512xf32> to vector<16x512xf32>
    %add3A_1675 = arith.addf %add3A_1674, %get3A_1673 : vector<16x512xf32>
    %get3A_1676 = arith.constant 1664 : index
    %get3A_1677 = arith.constant 0 : index
    %get3A_1678 = vector.load %arg6[%get3A_1676, %get3A_1677] : memref<2048x1xf32, #tpu.memory_space<vmem>>, vector<16x1xf32>
    %add3A_1679 = vector.broadcast %get3A_1678 : vector<16x1xf32> to vector<16x512xf32>
    %add3A_1680 = arith.addf %add3A_1675, %add3A_1679 : vector<16x512xf32>
    %lt3A_1681 = arith.cmpf olt, %add3A_1680, %select_n3A_1666 : vector<16x512xf32>
    %select_n3A_1682 = arith.select %lt3A_1681, %add3A_1680, %select_n3A_1666 : vector<16x512xi1>, vector<16x512xf32>
    %add3A_1683 = arith.constant 1664 : i32
    %add3A_1684 = vector.broadcast %add3A_1683 : i32 to vector<16x512xi32>
    %add3A_1685 = arith.addi %iota3A, %add3A_1684 : vector<16x512xi32>
    %select_n3A_1686 = arith.select %lt3A_1681, %add3A_1685, %select_n3A_1670 : vector<16x512xi1>, vector<16x512xi32>
    %get3A_1687 = arith.constant 1680 : index
    %get3A_1688 = arith.constant 0 : index
    %get3A_1689 = vector.load %arg7[%get3A_1687, %get3A_1688] : memref<2048x512xf32, #tpu.memory_space<vmem>>, vector<16x512xf32>
    %add3A_1690 = vector.broadcast %dot_general3A_8 : vector<1x512xf32> to vector<16x512xf32>
    %add3A_1691 = arith.addf %add3A_1690, %get3A_1689 : vector<16x512xf32>
    %get3A_1692 = arith.constant 1680 : index
    %get3A_1693 = arith.constant 0 : index
    %get3A_1694 = vector.load %arg6[%get3A_1692, %get3A_1693] : memref<2048x1xf32, #tpu.memory_space<vmem>>, vector<16x1xf32>
    %add3A_1695 = vector.broadcast %get3A_1694 : vector<16x1xf32> to vector<16x512xf32>
    %add3A_1696 = arith.addf %add3A_1691, %add3A_1695 : vector<16x512xf32>
    %lt3A_1697 = arith.cmpf olt, %add3A_1696, %select_n3A_1682 : vector<16x512xf32>
    %select_n3A_1698 = arith.select %lt3A_1697, %add3A_1696, %select_n3A_1682 : vector<16x512xi1>, vector<16x512xf32>
    %add3A_1699 = arith.constant 1680 : i32
    %add3A_1700 = vector.broadcast %add3A_1699 : i32 to vector<16x512xi32>
    %add3A_1701 = arith.addi %iota3A, %add3A_1700 : vector<16x512xi32>
    %select_n3A_1702 = arith.select %lt3A_1697, %add3A_1701, %select_n3A_1686 : vector<16x512xi1>, vector<16x512xi32>
    %get3A_1703 = arith.constant 1696 : index
    %get3A_1704 = arith.constant 0 : index
    %get3A_1705 = vector.load %arg7[%get3A_1703, %get3A_1704] : memref<2048x512xf32, #tpu.memory_space<vmem>>, vector<16x512xf32>
    %add3A_1706 = vector.broadcast %dot_general3A_8 : vector<1x512xf32> to vector<16x512xf32>
    %add3A_1707 = arith.addf %add3A_1706, %get3A_1705 : vector<16x512xf32>
    %get3A_1708 = arith.constant 1696 : index
    %get3A_1709 = arith.constant 0 : index
    %get3A_1710 = vector.load %arg6[%get3A_1708, %get3A_1709] : memref<2048x1xf32, #tpu.memory_space<vmem>>, vector<16x1xf32>
    %add3A_1711 = vector.broadcast %get3A_1710 : vector<16x1xf32> to vector<16x512xf32>
    %add3A_1712 = arith.addf %add3A_1707, %add3A_1711 : vector<16x512xf32>
    %lt3A_1713 = arith.cmpf olt, %add3A_1712, %select_n3A_1698 : vector<16x512xf32>
    %select_n3A_1714 = arith.select %lt3A_1713, %add3A_1712, %select_n3A_1698 : vector<16x512xi1>, vector<16x512xf32>
    %add3A_1715 = arith.constant 1696 : i32
    %add3A_1716 = vector.broadcast %add3A_1715 : i32 to vector<16x512xi32>
    %add3A_1717 = arith.addi %iota3A, %add3A_1716 : vector<16x512xi32>
    %select_n3A_1718 = arith.select %lt3A_1713, %add3A_1717, %select_n3A_1702 : vector<16x512xi1>, vector<16x512xi32>
    %get3A_1719 = arith.constant 1712 : index
    %get3A_1720 = arith.constant 0 : index
    %get3A_1721 = vector.load %arg7[%get3A_1719, %get3A_1720] : memref<2048x512xf32, #tpu.memory_space<vmem>>, vector<16x512xf32>
    %add3A_1722 = vector.broadcast %dot_general3A_8 : vector<1x512xf32> to vector<16x512xf32>
    %add3A_1723 = arith.addf %add3A_1722, %get3A_1721 : vector<16x512xf32>
    %get3A_1724 = arith.constant 1712 : index
    %get3A_1725 = arith.constant 0 : index
    %get3A_1726 = vector.load %arg6[%get3A_1724, %get3A_1725] : memref<2048x1xf32, #tpu.memory_space<vmem>>, vector<16x1xf32>
    %add3A_1727 = vector.broadcast %get3A_1726 : vector<16x1xf32> to vector<16x512xf32>
    %add3A_1728 = arith.addf %add3A_1723, %add3A_1727 : vector<16x512xf32>
    %lt3A_1729 = arith.cmpf olt, %add3A_1728, %select_n3A_1714 : vector<16x512xf32>
    %select_n3A_1730 = arith.select %lt3A_1729, %add3A_1728, %select_n3A_1714 : vector<16x512xi1>, vector<16x512xf32>
    %add3A_1731 = arith.constant 1712 : i32
    %add3A_1732 = vector.broadcast %add3A_1731 : i32 to vector<16x512xi32>
    %add3A_1733 = arith.addi %iota3A, %add3A_1732 : vector<16x512xi32>
    %select_n3A_1734 = arith.select %lt3A_1729, %add3A_1733, %select_n3A_1718 : vector<16x512xi1>, vector<16x512xi32>
    %get3A_1735 = arith.constant 1728 : index
    %get3A_1736 = arith.constant 0 : index
    %get3A_1737 = vector.load %arg7[%get3A_1735, %get3A_1736] : memref<2048x512xf32, #tpu.memory_space<vmem>>, vector<16x512xf32>
    %add3A_1738 = vector.broadcast %dot_general3A_8 : vector<1x512xf32> to vector<16x512xf32>
    %add3A_1739 = arith.addf %add3A_1738, %get3A_1737 : vector<16x512xf32>
    %get3A_1740 = arith.constant 1728 : index
    %get3A_1741 = arith.constant 0 : index
    %get3A_1742 = vector.load %arg6[%get3A_1740, %get3A_1741] : memref<2048x1xf32, #tpu.memory_space<vmem>>, vector<16x1xf32>
    %add3A_1743 = vector.broadcast %get3A_1742 : vector<16x1xf32> to vector<16x512xf32>
    %add3A_1744 = arith.addf %add3A_1739, %add3A_1743 : vector<16x512xf32>
    %lt3A_1745 = arith.cmpf olt, %add3A_1744, %select_n3A_1730 : vector<16x512xf32>
    %select_n3A_1746 = arith.select %lt3A_1745, %add3A_1744, %select_n3A_1730 : vector<16x512xi1>, vector<16x512xf32>
    %add3A_1747 = arith.constant 1728 : i32
    %add3A_1748 = vector.broadcast %add3A_1747 : i32 to vector<16x512xi32>
    %add3A_1749 = arith.addi %iota3A, %add3A_1748 : vector<16x512xi32>
    %select_n3A_1750 = arith.select %lt3A_1745, %add3A_1749, %select_n3A_1734 : vector<16x512xi1>, vector<16x512xi32>
    %get3A_1751 = arith.constant 1744 : index
    %get3A_1752 = arith.constant 0 : index
    %get3A_1753 = vector.load %arg7[%get3A_1751, %get3A_1752] : memref<2048x512xf32, #tpu.memory_space<vmem>>, vector<16x512xf32>
    %add3A_1754 = vector.broadcast %dot_general3A_8 : vector<1x512xf32> to vector<16x512xf32>
    %add3A_1755 = arith.addf %add3A_1754, %get3A_1753 : vector<16x512xf32>
    %get3A_1756 = arith.constant 1744 : index
    %get3A_1757 = arith.constant 0 : index
    %get3A_1758 = vector.load %arg6[%get3A_1756, %get3A_1757] : memref<2048x1xf32, #tpu.memory_space<vmem>>, vector<16x1xf32>
    %add3A_1759 = vector.broadcast %get3A_1758 : vector<16x1xf32> to vector<16x512xf32>
    %add3A_1760 = arith.addf %add3A_1755, %add3A_1759 : vector<16x512xf32>
    %lt3A_1761 = arith.cmpf olt, %add3A_1760, %select_n3A_1746 : vector<16x512xf32>
    %select_n3A_1762 = arith.select %lt3A_1761, %add3A_1760, %select_n3A_1746 : vector<16x512xi1>, vector<16x512xf32>
    %add3A_1763 = arith.constant 1744 : i32
    %add3A_1764 = vector.broadcast %add3A_1763 : i32 to vector<16x512xi32>
    %add3A_1765 = arith.addi %iota3A, %add3A_1764 : vector<16x512xi32>
    %select_n3A_1766 = arith.select %lt3A_1761, %add3A_1765, %select_n3A_1750 : vector<16x512xi1>, vector<16x512xi32>
    %get3A_1767 = arith.constant 1760 : index
    %get3A_1768 = arith.constant 0 : index
    %get3A_1769 = vector.load %arg7[%get3A_1767, %get3A_1768] : memref<2048x512xf32, #tpu.memory_space<vmem>>, vector<16x512xf32>
    %add3A_1770 = vector.broadcast %dot_general3A_8 : vector<1x512xf32> to vector<16x512xf32>
    %add3A_1771 = arith.addf %add3A_1770, %get3A_1769 : vector<16x512xf32>
    %get3A_1772 = arith.constant 1760 : index
    %get3A_1773 = arith.constant 0 : index
    %get3A_1774 = vector.load %arg6[%get3A_1772, %get3A_1773] : memref<2048x1xf32, #tpu.memory_space<vmem>>, vector<16x1xf32>
    %add3A_1775 = vector.broadcast %get3A_1774 : vector<16x1xf32> to vector<16x512xf32>
    %add3A_1776 = arith.addf %add3A_1771, %add3A_1775 : vector<16x512xf32>
    %lt3A_1777 = arith.cmpf olt, %add3A_1776, %select_n3A_1762 : vector<16x512xf32>
    %select_n3A_1778 = arith.select %lt3A_1777, %add3A_1776, %select_n3A_1762 : vector<16x512xi1>, vector<16x512xf32>
    %add3A_1779 = arith.constant 1760 : i32
    %add3A_1780 = vector.broadcast %add3A_1779 : i32 to vector<16x512xi32>
    %add3A_1781 = arith.addi %iota3A, %add3A_1780 : vector<16x512xi32>
    %select_n3A_1782 = arith.select %lt3A_1777, %add3A_1781, %select_n3A_1766 : vector<16x512xi1>, vector<16x512xi32>
    %get3A_1783 = arith.constant 1776 : index
    %get3A_1784 = arith.constant 0 : index
    %get3A_1785 = vector.load %arg7[%get3A_1783, %get3A_1784] : memref<2048x512xf32, #tpu.memory_space<vmem>>, vector<16x512xf32>
    %add3A_1786 = vector.broadcast %dot_general3A_8 : vector<1x512xf32> to vector<16x512xf32>
    %add3A_1787 = arith.addf %add3A_1786, %get3A_1785 : vector<16x512xf32>
    %get3A_1788 = arith.constant 1776 : index
    %get3A_1789 = arith.constant 0 : index
    %get3A_1790 = vector.load %arg6[%get3A_1788, %get3A_1789] : memref<2048x1xf32, #tpu.memory_space<vmem>>, vector<16x1xf32>
    %add3A_1791 = vector.broadcast %get3A_1790 : vector<16x1xf32> to vector<16x512xf32>
    %add3A_1792 = arith.addf %add3A_1787, %add3A_1791 : vector<16x512xf32>
    %lt3A_1793 = arith.cmpf olt, %add3A_1792, %select_n3A_1778 : vector<16x512xf32>
    %select_n3A_1794 = arith.select %lt3A_1793, %add3A_1792, %select_n3A_1778 : vector<16x512xi1>, vector<16x512xf32>
    %add3A_1795 = arith.constant 1776 : i32
    %add3A_1796 = vector.broadcast %add3A_1795 : i32 to vector<16x512xi32>
    %add3A_1797 = arith.addi %iota3A, %add3A_1796 : vector<16x512xi32>
    %select_n3A_1798 = arith.select %lt3A_1793, %add3A_1797, %select_n3A_1782 : vector<16x512xi1>, vector<16x512xi32>
    %get3A_1799 = arith.constant 1792 : index
    %get3A_1800 = arith.constant 0 : index
    %get3A_1801 = vector.load %arg7[%get3A_1799, %get3A_1800] : memref<2048x512xf32, #tpu.memory_space<vmem>>, vector<16x512xf32>
    %add3A_1802 = vector.broadcast %dot_general3A_8 : vector<1x512xf32> to vector<16x512xf32>
    %add3A_1803 = arith.addf %add3A_1802, %get3A_1801 : vector<16x512xf32>
    %get3A_1804 = arith.constant 1792 : index
    %get3A_1805 = arith.constant 0 : index
    %get3A_1806 = vector.load %arg6[%get3A_1804, %get3A_1805] : memref<2048x1xf32, #tpu.memory_space<vmem>>, vector<16x1xf32>
    %add3A_1807 = vector.broadcast %get3A_1806 : vector<16x1xf32> to vector<16x512xf32>
    %add3A_1808 = arith.addf %add3A_1803, %add3A_1807 : vector<16x512xf32>
    %lt3A_1809 = arith.cmpf olt, %add3A_1808, %select_n3A_1794 : vector<16x512xf32>
    %select_n3A_1810 = arith.select %lt3A_1809, %add3A_1808, %select_n3A_1794 : vector<16x512xi1>, vector<16x512xf32>
    %add3A_1811 = arith.constant 1792 : i32
    %add3A_1812 = vector.broadcast %add3A_1811 : i32 to vector<16x512xi32>
    %add3A_1813 = arith.addi %iota3A, %add3A_1812 : vector<16x512xi32>
    %select_n3A_1814 = arith.select %lt3A_1809, %add3A_1813, %select_n3A_1798 : vector<16x512xi1>, vector<16x512xi32>
    %get3A_1815 = arith.constant 1808 : index
    %get3A_1816 = arith.constant 0 : index
    %get3A_1817 = vector.load %arg7[%get3A_1815, %get3A_1816] : memref<2048x512xf32, #tpu.memory_space<vmem>>, vector<16x512xf32>
    %add3A_1818 = vector.broadcast %dot_general3A_8 : vector<1x512xf32> to vector<16x512xf32>
    %add3A_1819 = arith.addf %add3A_1818, %get3A_1817 : vector<16x512xf32>
    %get3A_1820 = arith.constant 1808 : index
    %get3A_1821 = arith.constant 0 : index
    %get3A_1822 = vector.load %arg6[%get3A_1820, %get3A_1821] : memref<2048x1xf32, #tpu.memory_space<vmem>>, vector<16x1xf32>
    %add3A_1823 = vector.broadcast %get3A_1822 : vector<16x1xf32> to vector<16x512xf32>
    %add3A_1824 = arith.addf %add3A_1819, %add3A_1823 : vector<16x512xf32>
    %lt3A_1825 = arith.cmpf olt, %add3A_1824, %select_n3A_1810 : vector<16x512xf32>
    %select_n3A_1826 = arith.select %lt3A_1825, %add3A_1824, %select_n3A_1810 : vector<16x512xi1>, vector<16x512xf32>
    %add3A_1827 = arith.constant 1808 : i32
    %add3A_1828 = vector.broadcast %add3A_1827 : i32 to vector<16x512xi32>
    %add3A_1829 = arith.addi %iota3A, %add3A_1828 : vector<16x512xi32>
    %select_n3A_1830 = arith.select %lt3A_1825, %add3A_1829, %select_n3A_1814 : vector<16x512xi1>, vector<16x512xi32>
    %get3A_1831 = arith.constant 1824 : index
    %get3A_1832 = arith.constant 0 : index
    %get3A_1833 = vector.load %arg7[%get3A_1831, %get3A_1832] : memref<2048x512xf32, #tpu.memory_space<vmem>>, vector<16x512xf32>
    %add3A_1834 = vector.broadcast %dot_general3A_8 : vector<1x512xf32> to vector<16x512xf32>
    %add3A_1835 = arith.addf %add3A_1834, %get3A_1833 : vector<16x512xf32>
    %get3A_1836 = arith.constant 1824 : index
    %get3A_1837 = arith.constant 0 : index
    %get3A_1838 = vector.load %arg6[%get3A_1836, %get3A_1837] : memref<2048x1xf32, #tpu.memory_space<vmem>>, vector<16x1xf32>
    %add3A_1839 = vector.broadcast %get3A_1838 : vector<16x1xf32> to vector<16x512xf32>
    %add3A_1840 = arith.addf %add3A_1835, %add3A_1839 : vector<16x512xf32>
    %lt3A_1841 = arith.cmpf olt, %add3A_1840, %select_n3A_1826 : vector<16x512xf32>
    %select_n3A_1842 = arith.select %lt3A_1841, %add3A_1840, %select_n3A_1826 : vector<16x512xi1>, vector<16x512xf32>
    %add3A_1843 = arith.constant 1824 : i32
    %add3A_1844 = vector.broadcast %add3A_1843 : i32 to vector<16x512xi32>
    %add3A_1845 = arith.addi %iota3A, %add3A_1844 : vector<16x512xi32>
    %select_n3A_1846 = arith.select %lt3A_1841, %add3A_1845, %select_n3A_1830 : vector<16x512xi1>, vector<16x512xi32>
    %get3A_1847 = arith.constant 1840 : index
    %get3A_1848 = arith.constant 0 : index
    %get3A_1849 = vector.load %arg7[%get3A_1847, %get3A_1848] : memref<2048x512xf32, #tpu.memory_space<vmem>>, vector<16x512xf32>
    %add3A_1850 = vector.broadcast %dot_general3A_8 : vector<1x512xf32> to vector<16x512xf32>
    %add3A_1851 = arith.addf %add3A_1850, %get3A_1849 : vector<16x512xf32>
    %get3A_1852 = arith.constant 1840 : index
    %get3A_1853 = arith.constant 0 : index
    %get3A_1854 = vector.load %arg6[%get3A_1852, %get3A_1853] : memref<2048x1xf32, #tpu.memory_space<vmem>>, vector<16x1xf32>
    %add3A_1855 = vector.broadcast %get3A_1854 : vector<16x1xf32> to vector<16x512xf32>
    %add3A_1856 = arith.addf %add3A_1851, %add3A_1855 : vector<16x512xf32>
    %lt3A_1857 = arith.cmpf olt, %add3A_1856, %select_n3A_1842 : vector<16x512xf32>
    %select_n3A_1858 = arith.select %lt3A_1857, %add3A_1856, %select_n3A_1842 : vector<16x512xi1>, vector<16x512xf32>
    %add3A_1859 = arith.constant 1840 : i32
    %add3A_1860 = vector.broadcast %add3A_1859 : i32 to vector<16x512xi32>
    %add3A_1861 = arith.addi %iota3A, %add3A_1860 : vector<16x512xi32>
    %select_n3A_1862 = arith.select %lt3A_1857, %add3A_1861, %select_n3A_1846 : vector<16x512xi1>, vector<16x512xi32>
    %get3A_1863 = arith.constant 1856 : index
    %get3A_1864 = arith.constant 0 : index
    %get3A_1865 = vector.load %arg7[%get3A_1863, %get3A_1864] : memref<2048x512xf32, #tpu.memory_space<vmem>>, vector<16x512xf32>
    %add3A_1866 = vector.broadcast %dot_general3A_8 : vector<1x512xf32> to vector<16x512xf32>
    %add3A_1867 = arith.addf %add3A_1866, %get3A_1865 : vector<16x512xf32>
    %get3A_1868 = arith.constant 1856 : index
    %get3A_1869 = arith.constant 0 : index
    %get3A_1870 = vector.load %arg6[%get3A_1868, %get3A_1869] : memref<2048x1xf32, #tpu.memory_space<vmem>>, vector<16x1xf32>
    %add3A_1871 = vector.broadcast %get3A_1870 : vector<16x1xf32> to vector<16x512xf32>
    %add3A_1872 = arith.addf %add3A_1867, %add3A_1871 : vector<16x512xf32>
    %lt3A_1873 = arith.cmpf olt, %add3A_1872, %select_n3A_1858 : vector<16x512xf32>
    %select_n3A_1874 = arith.select %lt3A_1873, %add3A_1872, %select_n3A_1858 : vector<16x512xi1>, vector<16x512xf32>
    %add3A_1875 = arith.constant 1856 : i32
    %add3A_1876 = vector.broadcast %add3A_1875 : i32 to vector<16x512xi32>
    %add3A_1877 = arith.addi %iota3A, %add3A_1876 : vector<16x512xi32>
    %select_n3A_1878 = arith.select %lt3A_1873, %add3A_1877, %select_n3A_1862 : vector<16x512xi1>, vector<16x512xi32>
    %get3A_1879 = arith.constant 1872 : index
    %get3A_1880 = arith.constant 0 : index
    %get3A_1881 = vector.load %arg7[%get3A_1879, %get3A_1880] : memref<2048x512xf32, #tpu.memory_space<vmem>>, vector<16x512xf32>
    %add3A_1882 = vector.broadcast %dot_general3A_8 : vector<1x512xf32> to vector<16x512xf32>
    %add3A_1883 = arith.addf %add3A_1882, %get3A_1881 : vector<16x512xf32>
    %get3A_1884 = arith.constant 1872 : index
    %get3A_1885 = arith.constant 0 : index
    %get3A_1886 = vector.load %arg6[%get3A_1884, %get3A_1885] : memref<2048x1xf32, #tpu.memory_space<vmem>>, vector<16x1xf32>
    %add3A_1887 = vector.broadcast %get3A_1886 : vector<16x1xf32> to vector<16x512xf32>
    %add3A_1888 = arith.addf %add3A_1883, %add3A_1887 : vector<16x512xf32>
    %lt3A_1889 = arith.cmpf olt, %add3A_1888, %select_n3A_1874 : vector<16x512xf32>
    %select_n3A_1890 = arith.select %lt3A_1889, %add3A_1888, %select_n3A_1874 : vector<16x512xi1>, vector<16x512xf32>
    %add3A_1891 = arith.constant 1872 : i32
    %add3A_1892 = vector.broadcast %add3A_1891 : i32 to vector<16x512xi32>
    %add3A_1893 = arith.addi %iota3A, %add3A_1892 : vector<16x512xi32>
    %select_n3A_1894 = arith.select %lt3A_1889, %add3A_1893, %select_n3A_1878 : vector<16x512xi1>, vector<16x512xi32>
    %get3A_1895 = arith.constant 1888 : index
    %get3A_1896 = arith.constant 0 : index
    %get3A_1897 = vector.load %arg7[%get3A_1895, %get3A_1896] : memref<2048x512xf32, #tpu.memory_space<vmem>>, vector<16x512xf32>
    %add3A_1898 = vector.broadcast %dot_general3A_8 : vector<1x512xf32> to vector<16x512xf32>
    %add3A_1899 = arith.addf %add3A_1898, %get3A_1897 : vector<16x512xf32>
    %get3A_1900 = arith.constant 1888 : index
    %get3A_1901 = arith.constant 0 : index
    %get3A_1902 = vector.load %arg6[%get3A_1900, %get3A_1901] : memref<2048x1xf32, #tpu.memory_space<vmem>>, vector<16x1xf32>
    %add3A_1903 = vector.broadcast %get3A_1902 : vector<16x1xf32> to vector<16x512xf32>
    %add3A_1904 = arith.addf %add3A_1899, %add3A_1903 : vector<16x512xf32>
    %lt3A_1905 = arith.cmpf olt, %add3A_1904, %select_n3A_1890 : vector<16x512xf32>
    %select_n3A_1906 = arith.select %lt3A_1905, %add3A_1904, %select_n3A_1890 : vector<16x512xi1>, vector<16x512xf32>
    %add3A_1907 = arith.constant 1888 : i32
    %add3A_1908 = vector.broadcast %add3A_1907 : i32 to vector<16x512xi32>
    %add3A_1909 = arith.addi %iota3A, %add3A_1908 : vector<16x512xi32>
    %select_n3A_1910 = arith.select %lt3A_1905, %add3A_1909, %select_n3A_1894 : vector<16x512xi1>, vector<16x512xi32>
    %get3A_1911 = arith.constant 1904 : index
    %get3A_1912 = arith.constant 0 : index
    %get3A_1913 = vector.load %arg7[%get3A_1911, %get3A_1912] : memref<2048x512xf32, #tpu.memory_space<vmem>>, vector<16x512xf32>
    %add3A_1914 = vector.broadcast %dot_general3A_8 : vector<1x512xf32> to vector<16x512xf32>
    %add3A_1915 = arith.addf %add3A_1914, %get3A_1913 : vector<16x512xf32>
    %get3A_1916 = arith.constant 1904 : index
    %get3A_1917 = arith.constant 0 : index
    %get3A_1918 = vector.load %arg6[%get3A_1916, %get3A_1917] : memref<2048x1xf32, #tpu.memory_space<vmem>>, vector<16x1xf32>
    %add3A_1919 = vector.broadcast %get3A_1918 : vector<16x1xf32> to vector<16x512xf32>
    %add3A_1920 = arith.addf %add3A_1915, %add3A_1919 : vector<16x512xf32>
    %lt3A_1921 = arith.cmpf olt, %add3A_1920, %select_n3A_1906 : vector<16x512xf32>
    %select_n3A_1922 = arith.select %lt3A_1921, %add3A_1920, %select_n3A_1906 : vector<16x512xi1>, vector<16x512xf32>
    %add3A_1923 = arith.constant 1904 : i32
    %add3A_1924 = vector.broadcast %add3A_1923 : i32 to vector<16x512xi32>
    %add3A_1925 = arith.addi %iota3A, %add3A_1924 : vector<16x512xi32>
    %select_n3A_1926 = arith.select %lt3A_1921, %add3A_1925, %select_n3A_1910 : vector<16x512xi1>, vector<16x512xi32>
    %get3A_1927 = arith.constant 1920 : index
    %get3A_1928 = arith.constant 0 : index
    %get3A_1929 = vector.load %arg7[%get3A_1927, %get3A_1928] : memref<2048x512xf32, #tpu.memory_space<vmem>>, vector<16x512xf32>
    %add3A_1930 = vector.broadcast %dot_general3A_8 : vector<1x512xf32> to vector<16x512xf32>
    %add3A_1931 = arith.addf %add3A_1930, %get3A_1929 : vector<16x512xf32>
    %get3A_1932 = arith.constant 1920 : index
    %get3A_1933 = arith.constant 0 : index
    %get3A_1934 = vector.load %arg6[%get3A_1932, %get3A_1933] : memref<2048x1xf32, #tpu.memory_space<vmem>>, vector<16x1xf32>
    %add3A_1935 = vector.broadcast %get3A_1934 : vector<16x1xf32> to vector<16x512xf32>
    %add3A_1936 = arith.addf %add3A_1931, %add3A_1935 : vector<16x512xf32>
    %lt3A_1937 = arith.cmpf olt, %add3A_1936, %select_n3A_1922 : vector<16x512xf32>
    %select_n3A_1938 = arith.select %lt3A_1937, %add3A_1936, %select_n3A_1922 : vector<16x512xi1>, vector<16x512xf32>
    %add3A_1939 = arith.constant 1920 : i32
    %add3A_1940 = vector.broadcast %add3A_1939 : i32 to vector<16x512xi32>
    %add3A_1941 = arith.addi %iota3A, %add3A_1940 : vector<16x512xi32>
    %select_n3A_1942 = arith.select %lt3A_1937, %add3A_1941, %select_n3A_1926 : vector<16x512xi1>, vector<16x512xi32>
    %get3A_1943 = arith.constant 1936 : index
    %get3A_1944 = arith.constant 0 : index
    %get3A_1945 = vector.load %arg7[%get3A_1943, %get3A_1944] : memref<2048x512xf32, #tpu.memory_space<vmem>>, vector<16x512xf32>
    %add3A_1946 = vector.broadcast %dot_general3A_8 : vector<1x512xf32> to vector<16x512xf32>
    %add3A_1947 = arith.addf %add3A_1946, %get3A_1945 : vector<16x512xf32>
    %get3A_1948 = arith.constant 1936 : index
    %get3A_1949 = arith.constant 0 : index
    %get3A_1950 = vector.load %arg6[%get3A_1948, %get3A_1949] : memref<2048x1xf32, #tpu.memory_space<vmem>>, vector<16x1xf32>
    %add3A_1951 = vector.broadcast %get3A_1950 : vector<16x1xf32> to vector<16x512xf32>
    %add3A_1952 = arith.addf %add3A_1947, %add3A_1951 : vector<16x512xf32>
    %lt3A_1953 = arith.cmpf olt, %add3A_1952, %select_n3A_1938 : vector<16x512xf32>
    %select_n3A_1954 = arith.select %lt3A_1953, %add3A_1952, %select_n3A_1938 : vector<16x512xi1>, vector<16x512xf32>
    %add3A_1955 = arith.constant 1936 : i32
    %add3A_1956 = vector.broadcast %add3A_1955 : i32 to vector<16x512xi32>
    %add3A_1957 = arith.addi %iota3A, %add3A_1956 : vector<16x512xi32>
    %select_n3A_1958 = arith.select %lt3A_1953, %add3A_1957, %select_n3A_1942 : vector<16x512xi1>, vector<16x512xi32>
    %get3A_1959 = arith.constant 1952 : index
    %get3A_1960 = arith.constant 0 : index
    %get3A_1961 = vector.load %arg7[%get3A_1959, %get3A_1960] : memref<2048x512xf32, #tpu.memory_space<vmem>>, vector<16x512xf32>
    %add3A_1962 = vector.broadcast %dot_general3A_8 : vector<1x512xf32> to vector<16x512xf32>
    %add3A_1963 = arith.addf %add3A_1962, %get3A_1961 : vector<16x512xf32>
    %get3A_1964 = arith.constant 1952 : index
    %get3A_1965 = arith.constant 0 : index
    %get3A_1966 = vector.load %arg6[%get3A_1964, %get3A_1965] : memref<2048x1xf32, #tpu.memory_space<vmem>>, vector<16x1xf32>
    %add3A_1967 = vector.broadcast %get3A_1966 : vector<16x1xf32> to vector<16x512xf32>
    %add3A_1968 = arith.addf %add3A_1963, %add3A_1967 : vector<16x512xf32>
    %lt3A_1969 = arith.cmpf olt, %add3A_1968, %select_n3A_1954 : vector<16x512xf32>
    %select_n3A_1970 = arith.select %lt3A_1969, %add3A_1968, %select_n3A_1954 : vector<16x512xi1>, vector<16x512xf32>
    %add3A_1971 = arith.constant 1952 : i32
    %add3A_1972 = vector.broadcast %add3A_1971 : i32 to vector<16x512xi32>
    %add3A_1973 = arith.addi %iota3A, %add3A_1972 : vector<16x512xi32>
    %select_n3A_1974 = arith.select %lt3A_1969, %add3A_1973, %select_n3A_1958 : vector<16x512xi1>, vector<16x512xi32>
    %get3A_1975 = arith.constant 1968 : index
    %get3A_1976 = arith.constant 0 : index
    %get3A_1977 = vector.load %arg7[%get3A_1975, %get3A_1976] : memref<2048x512xf32, #tpu.memory_space<vmem>>, vector<16x512xf32>
    %add3A_1978 = vector.broadcast %dot_general3A_8 : vector<1x512xf32> to vector<16x512xf32>
    %add3A_1979 = arith.addf %add3A_1978, %get3A_1977 : vector<16x512xf32>
    %get3A_1980 = arith.constant 1968 : index
    %get3A_1981 = arith.constant 0 : index
    %get3A_1982 = vector.load %arg6[%get3A_1980, %get3A_1981] : memref<2048x1xf32, #tpu.memory_space<vmem>>, vector<16x1xf32>
    %add3A_1983 = vector.broadcast %get3A_1982 : vector<16x1xf32> to vector<16x512xf32>
    %add3A_1984 = arith.addf %add3A_1979, %add3A_1983 : vector<16x512xf32>
    %lt3A_1985 = arith.cmpf olt, %add3A_1984, %select_n3A_1970 : vector<16x512xf32>
    %select_n3A_1986 = arith.select %lt3A_1985, %add3A_1984, %select_n3A_1970 : vector<16x512xi1>, vector<16x512xf32>
    %add3A_1987 = arith.constant 1968 : i32
    %add3A_1988 = vector.broadcast %add3A_1987 : i32 to vector<16x512xi32>
    %add3A_1989 = arith.addi %iota3A, %add3A_1988 : vector<16x512xi32>
    %select_n3A_1990 = arith.select %lt3A_1985, %add3A_1989, %select_n3A_1974 : vector<16x512xi1>, vector<16x512xi32>
    %get3A_1991 = arith.constant 1984 : index
    %get3A_1992 = arith.constant 0 : index
    %get3A_1993 = vector.load %arg7[%get3A_1991, %get3A_1992] : memref<2048x512xf32, #tpu.memory_space<vmem>>, vector<16x512xf32>
    %add3A_1994 = vector.broadcast %dot_general3A_8 : vector<1x512xf32> to vector<16x512xf32>
    %add3A_1995 = arith.addf %add3A_1994, %get3A_1993 : vector<16x512xf32>
    %get3A_1996 = arith.constant 1984 : index
    %get3A_1997 = arith.constant 0 : index
    %get3A_1998 = vector.load %arg6[%get3A_1996, %get3A_1997] : memref<2048x1xf32, #tpu.memory_space<vmem>>, vector<16x1xf32>
    %add3A_1999 = vector.broadcast %get3A_1998 : vector<16x1xf32> to vector<16x512xf32>
    %add3A_2000 = arith.addf %add3A_1995, %add3A_1999 : vector<16x512xf32>
    %lt3A_2001 = arith.cmpf olt, %add3A_2000, %select_n3A_1986 : vector<16x512xf32>
    %select_n3A_2002 = arith.select %lt3A_2001, %add3A_2000, %select_n3A_1986 : vector<16x512xi1>, vector<16x512xf32>
    %add3A_2003 = arith.constant 1984 : i32
    %add3A_2004 = vector.broadcast %add3A_2003 : i32 to vector<16x512xi32>
    %add3A_2005 = arith.addi %iota3A, %add3A_2004 : vector<16x512xi32>
    %select_n3A_2006 = arith.select %lt3A_2001, %add3A_2005, %select_n3A_1990 : vector<16x512xi1>, vector<16x512xi32>
    %get3A_2007 = arith.constant 2000 : index
    %get3A_2008 = arith.constant 0 : index
    %get3A_2009 = vector.load %arg7[%get3A_2007, %get3A_2008] : memref<2048x512xf32, #tpu.memory_space<vmem>>, vector<16x512xf32>
    %add3A_2010 = vector.broadcast %dot_general3A_8 : vector<1x512xf32> to vector<16x512xf32>
    %add3A_2011 = arith.addf %add3A_2010, %get3A_2009 : vector<16x512xf32>
    %get3A_2012 = arith.constant 2000 : index
    %get3A_2013 = arith.constant 0 : index
    %get3A_2014 = vector.load %arg6[%get3A_2012, %get3A_2013] : memref<2048x1xf32, #tpu.memory_space<vmem>>, vector<16x1xf32>
    %add3A_2015 = vector.broadcast %get3A_2014 : vector<16x1xf32> to vector<16x512xf32>
    %add3A_2016 = arith.addf %add3A_2011, %add3A_2015 : vector<16x512xf32>
    %lt3A_2017 = arith.cmpf olt, %add3A_2016, %select_n3A_2002 : vector<16x512xf32>
    %select_n3A_2018 = arith.select %lt3A_2017, %add3A_2016, %select_n3A_2002 : vector<16x512xi1>, vector<16x512xf32>
    %add3A_2019 = arith.constant 2000 : i32
    %add3A_2020 = vector.broadcast %add3A_2019 : i32 to vector<16x512xi32>
    %add3A_2021 = arith.addi %iota3A, %add3A_2020 : vector<16x512xi32>
    %select_n3A_2022 = arith.select %lt3A_2017, %add3A_2021, %select_n3A_2006 : vector<16x512xi1>, vector<16x512xi32>
    %get3A_2023 = arith.constant 2016 : index
    %get3A_2024 = arith.constant 0 : index
    %get3A_2025 = vector.load %arg7[%get3A_2023, %get3A_2024] : memref<2048x512xf32, #tpu.memory_space<vmem>>, vector<16x512xf32>
    %add3A_2026 = vector.broadcast %dot_general3A_8 : vector<1x512xf32> to vector<16x512xf32>
    %add3A_2027 = arith.addf %add3A_2026, %get3A_2025 : vector<16x512xf32>
    %get3A_2028 = arith.constant 2016 : index
    %get3A_2029 = arith.constant 0 : index
    %get3A_2030 = vector.load %arg6[%get3A_2028, %get3A_2029] : memref<2048x1xf32, #tpu.memory_space<vmem>>, vector<16x1xf32>
    %add3A_2031 = vector.broadcast %get3A_2030 : vector<16x1xf32> to vector<16x512xf32>
    %add3A_2032 = arith.addf %add3A_2027, %add3A_2031 : vector<16x512xf32>
    %lt3A_2033 = arith.cmpf olt, %add3A_2032, %select_n3A_2018 : vector<16x512xf32>
    %select_n3A_2034 = arith.select %lt3A_2033, %add3A_2032, %select_n3A_2018 : vector<16x512xi1>, vector<16x512xf32>
    %add3A_2035 = arith.constant 2016 : i32
    %add3A_2036 = vector.broadcast %add3A_2035 : i32 to vector<16x512xi32>
    %add3A_2037 = arith.addi %iota3A, %add3A_2036 : vector<16x512xi32>
    %select_n3A_2038 = arith.select %lt3A_2033, %add3A_2037, %select_n3A_2022 : vector<16x512xi1>, vector<16x512xi32>
    %get3A_2039 = arith.constant 2032 : index
    %get3A_2040 = arith.constant 0 : index
    %get3A_2041 = vector.load %arg7[%get3A_2039, %get3A_2040] : memref<2048x512xf32, #tpu.memory_space<vmem>>, vector<16x512xf32>
    %add3A_2042 = vector.broadcast %dot_general3A_8 : vector<1x512xf32> to vector<16x512xf32>
    %add3A_2043 = arith.addf %add3A_2042, %get3A_2041 : vector<16x512xf32>
    %get3A_2044 = arith.constant 2032 : index
    %get3A_2045 = arith.constant 0 : index
    %get3A_2046 = vector.load %arg6[%get3A_2044, %get3A_2045] : memref<2048x1xf32, #tpu.memory_space<vmem>>, vector<16x1xf32>
    %add3A_2047 = vector.broadcast %get3A_2046 : vector<16x1xf32> to vector<16x512xf32>
    %add3A_2048 = arith.addf %add3A_2043, %add3A_2047 : vector<16x512xf32>
    %lt3A_2049 = arith.cmpf olt, %add3A_2048, %select_n3A_2034 : vector<16x512xf32>
    %select_n3A_2050 = arith.select %lt3A_2049, %add3A_2048, %select_n3A_2034 : vector<16x512xi1>, vector<16x512xf32>
    %add3A_2051 = arith.constant 2032 : i32
    %add3A_2052 = vector.broadcast %add3A_2051 : i32 to vector<16x512xi32>
    %add3A_2053 = arith.addi %iota3A, %add3A_2052 : vector<16x512xi32>
    %select_n3A_2054 = arith.select %lt3A_2049, %add3A_2053, %select_n3A_2038 : vector<16x512xi1>, vector<16x512xi32>
    %slice3A = vector.extract_strided_slice %select_n3A_2050 {offsets = [0, 0], sizes = [8, 512], strides = [1, 1]} : vector<16x512xf32> to vector<8x512xf32>
    %slice3A_2055 = vector.extract_strided_slice %select_n3A_2050 {offsets = [8, 0], sizes = [8, 512], strides = [1, 1]} : vector<16x512xf32> to vector<8x512xf32>
    %slice3A_2056 = vector.extract_strided_slice %select_n3A_2054 {offsets = [0, 0], sizes = [8, 512], strides = [1, 1]} : vector<16x512xi32> to vector<8x512xi32>
    %slice3A_2057 = vector.extract_strided_slice %select_n3A_2054 {offsets = [8, 0], sizes = [8, 512], strides = [1, 1]} : vector<16x512xi32> to vector<8x512xi32>
    %lt3A_2058 = arith.cmpf olt, %slice3A_2055, %slice3A : vector<8x512xf32>
    %eq3A_2059 = arith.cmpf oeq, %slice3A_2055, %slice3A : vector<8x512xf32>
    %lt3A_2060 = arith.cmpi slt, %slice3A_2057, %slice3A_2056 : vector<8x512xi32>
    %and3A = arith.andi %eq3A_2059, %lt3A_2060 : vector<8x512xi1>
    %or3A = arith.ori %lt3A_2058, %and3A : vector<8x512xi1>
    %select_n3A_2061 = arith.select %or3A, %slice3A_2055, %slice3A : vector<8x512xi1>, vector<8x512xf32>
    %select_n3A_2062 = arith.select %or3A, %slice3A_2057, %slice3A_2056 : vector<8x512xi1>, vector<8x512xi32>
    %slice3A_2063 = vector.extract_strided_slice %select_n3A_2061 {offsets = [0, 0], sizes = [4, 512], strides = [1, 1]} : vector<8x512xf32> to vector<4x512xf32>
    %slice3A_2064 = vector.extract_strided_slice %select_n3A_2061 {offsets = [4, 0], sizes = [4, 512], strides = [1, 1]} : vector<8x512xf32> to vector<4x512xf32>
    %slice3A_2065 = vector.extract_strided_slice %select_n3A_2062 {offsets = [0, 0], sizes = [4, 512], strides = [1, 1]} : vector<8x512xi32> to vector<4x512xi32>
    %slice3A_2066 = vector.extract_strided_slice %select_n3A_2062 {offsets = [4, 0], sizes = [4, 512], strides = [1, 1]} : vector<8x512xi32> to vector<4x512xi32>
    %lt3A_2067 = arith.cmpf olt, %slice3A_2064, %slice3A_2063 : vector<4x512xf32>
    %eq3A_2068 = arith.cmpf oeq, %slice3A_2064, %slice3A_2063 : vector<4x512xf32>
    %lt3A_2069 = arith.cmpi slt, %slice3A_2066, %slice3A_2065 : vector<4x512xi32>
    %and3A_2070 = arith.andi %eq3A_2068, %lt3A_2069 : vector<4x512xi1>
    %or3A_2071 = arith.ori %lt3A_2067, %and3A_2070 : vector<4x512xi1>
    %select_n3A_2072 = arith.select %or3A_2071, %slice3A_2064, %slice3A_2063 : vector<4x512xi1>, vector<4x512xf32>
    %select_n3A_2073 = arith.select %or3A_2071, %slice3A_2066, %slice3A_2065 : vector<4x512xi1>, vector<4x512xi32>
    %slice3A_2074 = vector.extract_strided_slice %select_n3A_2072 {offsets = [0, 0], sizes = [2, 512], strides = [1, 1]} : vector<4x512xf32> to vector<2x512xf32>
    %slice3A_2075 = vector.extract_strided_slice %select_n3A_2072 {offsets = [2, 0], sizes = [2, 512], strides = [1, 1]} : vector<4x512xf32> to vector<2x512xf32>
    %slice3A_2076 = vector.extract_strided_slice %select_n3A_2073 {offsets = [0, 0], sizes = [2, 512], strides = [1, 1]} : vector<4x512xi32> to vector<2x512xi32>
    %slice3A_2077 = vector.extract_strided_slice %select_n3A_2073 {offsets = [2, 0], sizes = [2, 512], strides = [1, 1]} : vector<4x512xi32> to vector<2x512xi32>
    %lt3A_2078 = arith.cmpf olt, %slice3A_2075, %slice3A_2074 : vector<2x512xf32>
    %eq3A_2079 = arith.cmpf oeq, %slice3A_2075, %slice3A_2074 : vector<2x512xf32>
    %lt3A_2080 = arith.cmpi slt, %slice3A_2077, %slice3A_2076 : vector<2x512xi32>
    %and3A_2081 = arith.andi %eq3A_2079, %lt3A_2080 : vector<2x512xi1>
    %or3A_2082 = arith.ori %lt3A_2078, %and3A_2081 : vector<2x512xi1>
    %select_n3A_2083 = arith.select %or3A_2082, %slice3A_2075, %slice3A_2074 : vector<2x512xi1>, vector<2x512xf32>
    %select_n3A_2084 = arith.select %or3A_2082, %slice3A_2077, %slice3A_2076 : vector<2x512xi1>, vector<2x512xi32>
    %slice3A_2085 = vector.extract_strided_slice %select_n3A_2083 {offsets = [0, 0], sizes = [1, 512], strides = [1, 1]} : vector<2x512xf32> to vector<1x512xf32>
    %slice3A_2086 = vector.extract_strided_slice %select_n3A_2083 {offsets = [1, 0], sizes = [1, 512], strides = [1, 1]} : vector<2x512xf32> to vector<1x512xf32>
    %slice3A_2087 = vector.extract_strided_slice %select_n3A_2084 {offsets = [0, 0], sizes = [1, 512], strides = [1, 1]} : vector<2x512xi32> to vector<1x512xi32>
    %slice3A_2088 = vector.extract_strided_slice %select_n3A_2084 {offsets = [1, 0], sizes = [1, 512], strides = [1, 1]} : vector<2x512xi32> to vector<1x512xi32>
    %lt3A_2089 = arith.cmpf olt, %slice3A_2086, %slice3A_2085 : vector<1x512xf32>
    %eq3A_2090 = arith.cmpf oeq, %slice3A_2086, %slice3A_2085 : vector<1x512xf32>
    %lt3A_2091 = arith.cmpi slt, %slice3A_2088, %slice3A_2087 : vector<1x512xi32>
    %and3A_2092 = arith.andi %eq3A_2090, %lt3A_2091 : vector<1x512xi1>
    %or3A_2093 = arith.ori %lt3A_2089, %and3A_2092 : vector<1x512xi1>
    %select_n3A_2094 = arith.select %or3A_2093, %slice3A_2086, %slice3A_2085 : vector<1x512xi1>, vector<1x512xf32>
    %select_n3A_2095 = arith.select %or3A_2093, %slice3A_2088, %slice3A_2087 : vector<1x512xi1>, vector<1x512xi32>
    %squeeze3A = vector.shape_cast %select_n3A_2095 : vector<1x512xi32> to vector<512xi32>
    %swap3A_2096 = arith.constant 0 : index
    %swap3A_2097 = arith.constant 0 : index
    %swap3A_2098 = arith.constant 0 : index
    %swap3A_2099 = vector.load %arg3[%swap3A_2096, %swap3A_2097, %swap3A_2098] : memref<1x1x512xi32, #tpu.memory_space<vmem>>, vector<1x1x512xi32>
    %swap3A_2100 = vector.shape_cast %swap3A_2099 : vector<1x1x512xi32> to vector<512xi32>
    %swap3A_2101 = vector.shape_cast %squeeze3A : vector<512xi32> to vector<1x1x512xi32>
    tpu.vector_store %arg3[%swap3A_2096, %swap3A_2097, %swap3A_2098], %swap3A_2101 {strides = array<i32>} : memref<1x1x512xi32, #tpu.memory_space<vmem>>, vector<1x1x512xi32>,
    %get3A_2102 = arith.constant 0 : index
    %get3A_2103 = arith.constant 0 : index
    %get3A_2104 = memref.load %arg4[%get3A_2102, %get3A_2103] : memref<1x1xf32, #tpu.memory_space<smem>>
    %squeeze3A_2105 = vector.shape_cast %select_n3A_2094 : vector<1x512xf32> to vector<512xf32>
    %reduce_sum3A_2106 = vector.shape_cast %squeeze3A_2105 : vector<512xf32> to vector<1x512xf32>
    %reduce_sum3A_2107 = arith.constant dense<0.000000e+00> : vector<1xf32>
    %reduce_sum3A_2108 = vector.multi_reduction <add>, %reduce_sum3A_2106, %reduce_sum3A_2107 [1] : vector<1x512xf32> to vector<1xf32>
    %reduce_sum3A_2109 = vector.shape_cast %reduce_sum3A_2108 : vector<1xf32> to vector<1x1xf32>
    %reduce_sum3A_2110 = vector.extract %reduce_sum3A_2109[0, 0] : f32 from vector<1x1xf32>
    %add3A_2111 = arith.addf %get3A_2104, %reduce_sum3A_2110 : f32
    %swap3A_2112 = arith.constant 0 : index
    %swap3A_2113 = arith.constant 0 : index
    %swap3A_2114 = memref.load %arg4[%swap3A_2112, %swap3A_2113] : memref<1x1xf32, #tpu.memory_space<smem>>
    memref.store %add3A_2111, %arg4[%swap3A_2112, %swap3A_2113] : memref<1x1xf32, #tpu.memory_space<smem>>
    %eq3A_2115 = arith.constant 17 : i32
    %eq3A_2116 = arith.cmpi eq, %arg0, %eq3A_2115 : i32
    %convert_element_type3A_2117 = arith.extui %eq3A_2116 : i1 to i32
    %cond3A_2118 = arith.constant 0 : i32
    %cond3A_2119 = arith.cmpi ne, %convert_element_type3A_2117, %cond3A_2118 : i32
    scf.if %cond3A_2119 {
      %get3A_2120 = arith.constant 0 : index
      %get3A_2121 = arith.constant 0 : index
      %get3A_2122 = memref.load %arg4[%get3A_2120, %get3A_2121] : memref<1x1xf32, #tpu.memory_space<smem>>
      %div3A = arith.constant 0x49900000 : f32
      %div3A_2123 = arith.divf %get3A_2122, %div3A : f32
      %mul3A = arith.constant 2.500000e-01 : f32
      %mul3A_2124 = arith.mulf %mul3A, %div3A_2123 : f32
      %add3A_2125 = arith.addf %div3A_2123, %mul3A_2124 : f32
      %swap3A_2126 = arith.constant 0 : index
      %swap3A_2127 = arith.constant 0 : index
      %swap3A_2128 = memref.load %arg4[%swap3A_2126, %swap3A_2127] : memref<1x1xf32, #tpu.memory_space<smem>>
      memref.store %add3A_2125, %arg4[%swap3A_2126, %swap3A_2127] : memref<1x1xf32, #tpu.memory_space<smem>>
    } else {
    }
    return
  }
  func.func @transform_0(%arg0: i32) -> (i32, i32) {
    %c0_i32 = arith.constant 0 : i32
    %c0_i32_0 = arith.constant 0 : i32
    return %arg0, %c0_i32 : i32, i32
  }
  func.func @transform_1(%arg0: i32) -> (i32, i32) {
    %c0_i32 = arith.constant 0 : i32
    %c0_i32_0 = arith.constant 0 : i32
    %c0_i32_1 = arith.constant 0 : i32
    return %c0_i32, %c0_i32_0 : i32, i32
  }
  func.func @transform_2(%arg0: i32) -> (i32, i32, i32) {
    %c0_i32 = arith.constant 0 : i32
    %c0_i32_0 = arith.constant 0 : i32
    %c0_i32_1 = arith.constant 0 : i32
    return %arg0, %c0_i32, %c0_i32_0 : i32, i32, i32
  }
  func.func @transform_3(%arg0: i32) -> (i32, i32) {
    %c0_i32 = arith.constant 0 : i32
    %c0_i32_0 = arith.constant 0 : i32
    %c0_i32_1 = arith.constant 0 : i32
    return %c0_i32, %c0_i32_0 : i32, i32
  }
}

</mosaic_0001>

<sc_bundles>
// kernel: kernel.4.cloned.1.call-start
scs
__scs_entry_jumppad:
0x0: {  	(pc) =	sbr.rel $0x88, $3  }
0x1: {  	(tag) =	ssettag $0x0;
	lr =	simm.s32 $0x1  }
0x2: {  	[smem:$0x3F9F] =	sst lr;
	_ =	strace $0xD0000000  }
0x3: {  	_ = 	snop  }
0x4: {  	_ = 	snop  }
0x5: {  	_ = 	snop  }
0x6: {  	_ = 	snop  }
0x7: {  	_ = 	snop  }
__scs_overlays_trampoline_lowered:
0x8: {  	[smem:$0x3FAE] =	sst s0  }
0x9: {  	[smem:$0x3FAF] =	sst s1  }
0xa: {  	[smem:$0x3FB0] =	sst s2  }
0xb: {  	[smem:$0x3FB1] =	sst s3  }
0xc: {  	[smem:$0x3FB2] =	sst s4  }
0xd: {  	[smem:$0x3FB3] =	sst s5  }
0xe: {  	[smem:$0x3FB4] =	sst s6  }
0xf: {  	[smem:$0x3FB5] =	sst s7  }
0x10: {  	[smem:$0x3FB6] =	sst s8  }
0x11: {  	[smem:$0x3FB7] =	sst s9;
	s0 =	simm.s32 @!p0 $0x0  }
0x12: {  	s1 =	sld [smem:$0x3F9D];
	s0 =	simm.s32 @p0 $0x1  }
0x13: {  	[smem:$0x3FB8] =	sst s0;
	s0 =	simm.s32 @!p1 $0x0  }
0x14: {  	s2 =	sld [smem:$0x3F9C];
	s0 =	simm.s32 @p1 $0x1  }
0x15: {  	[smem:$0x3FB9] =	sst s0;
	s0 =	simm.s32 @!p2 $0x0  }
0x16: {  	s3 =	sld [smem:$0x3FDB];
	s0 =	simm.s32 @p2 $0x1  }
0x17: {  	s4 =	simm.s32 $0x1BF5;
	[smem:$0x3FBB] =	sst s0  }
0x18: {  	s0 =	sld [smem:$0x3F9E];
	_ =	swait.ge [sflag:s4], $0x0  }
0x19: {  	s7 =	sld [smem:$0x3F9F]  }
0x1a: {  	s8 =	sadd.s32 $0xFFFFE003, lr  }
0x1b: {  	s9 =	sadd.s32 $0xFFFFFEF7, lr;
	s5 =	simm.s32 $0xFFFFFFFF;
	p2 =	slt.u32 s8, $0xFFFFF086  }
0x1c: {  	p1 =	slt.u32 s9, $0xF7A;
	s5 =	simm.s32 @!p2 $0x0  }
0x1d: {  	s5 =	simm.s32 @p1 $0x1;
	p0 =	seq.s32 s7, s2  }
0x1e: {  	s7 =	smul.u32 @!p0 $0xF7A, s2;
	p2 =	seq.s32 @!p0 s5, $0x0  }
0x1f: {  	s9 =	smul.u32 $0xF7A, s1;
	s8 =	simm.s32 @!p0 $0x1BF5;
	p2 =	por !p2, p0  }
0x20: {  	[sflag:s8] =	ssyncset.s32 @!p0 $0xFFFFF086;
	s6 =	sadd.s32 @!p0 s3, s7;
	s7 =	simm.s32 @!p0 $0x108  }
0x21: {  	s3 =	sadd.s32 s3, s9;
	s6 =	sadd.s32 @!p0 $0x88, s6;
	s7 =	simm.s32 @p2 $0x1082  }
0x22: {  	[simem:s7], [sflag:s8] =	dma.local @!p0 [hbm:s6], $0xF7A  }
0x23: {  	s9 =	sor.u32 $0xD0000000, s2;
	s6 =	simm.s32 $0x108;
	_ =	swait.ge @!p0 [sflag:s8], $0x0  }
0x24: {  	s3 =	sadd.s32 $0x88, s3;
	s6 =	simm.s32 @!p1 $0x1082;
	[sflag:s4] =	ssyncset.s32 $0xFFFFF086  }
0x25: {  	[simem:s6], [sflag:s4] =	dma.local [hbm:s3], $0xF7A  }
0x26: {  	[smem:$0x3F9F] =	sst s1;
	(tag) =	ssettag s2;
	_ =	strace s9  }
0x27: {  	s1 =	sld [smem:$0x3FAF]  }
0x28: {  	s2 =	sld [smem:$0x3FB0]  }
0x29: {  	s4 =	sld [smem:$0x3FB2]  }
0x2a: {  	p0 =	seq.s32 s5, $0x0;
	s5 =	sld [smem:$0x3FB3]  }
0x2b: {  	s6 =	sld [smem:$0x3FB4]  }
0x2c: {  	s7 =	sld [smem:$0x3FB5]  }
0x2d: {  	s3 =	simm.s32 $0x108;
	s8 =	sld [smem:$0x3FB6]  }
0x2e: {  	s3 =	simm.s32 @!p0 $0x1082;
	s9 =	sld [smem:$0x3FB7]  }
0x2f: {  	lr =	sadd.s32 s0, s3;
	s0 =	sld [smem:$0x3FAE]  }
0x30: {  	s3 =	sld [smem:$0x3FB1]  }
0x31: {  	[smem:$0x3FBA] =	sst s10  }
0x32: {  	s10 =	sld [smem:$0x3FB8];
	_ =	sdelay $0x3  }
0x33: {  	p0 =	seq.s32 s10, $0x1;
	s10 =	sld [smem:$0x3FBA];
	_ =	sdelay $0x3  }
0x34: {  	[smem:$0x3FBA] =	sst s10  }
0x35: {  	s10 =	sld [smem:$0x3FB9];
	_ =	sdelay $0x3  }
0x36: {  	p1 =	seq.s32 s10, $0x1;
	s10 =	sld [smem:$0x3FBA];
	_ =	sdelay $0x3  }
0x37: {  	[smem:$0x3FBA] =	sst s10  }
0x38: {  	s10 =	sld [smem:$0x3FBB]  }
0x39: {  	_ = 	snop;
	(pc) =	sbr.ind lr, $3  }
0x3a: {  	_ = 	snop  }
0x3b: {  	_ = 	snop  }
0x3c: {  	p2 =	seq.s32 s10, $0x1;
	s10 =	sld [smem:$0x3FBA]  }
0x3d: {  	_ =	shalt  }
0x3e: {  	_ =	shalt  }
0x3f: {  	_ =	shalt  }
0x40: {  	_ =	shalt  }
0x41: {  	_ =	shalt  }
0x42: {  	_ =	shalt  }
0x43: {  	_ =	shalt  }
0x44: {  	_ =	shalt  }
0x45: {  	_ =	shalt  }
0x46: {  	_ =	shalt  }
0x47: {  	_ =	shalt  }
0x48: {  	_ =	shalt  }
0x49: {  	_ =	shalt  }
0x4a: {  	_ =	shalt  }
0x4b: {  	_ =	shalt  }
0x4c: {  	_ =	shalt  }
0x4d: {  	_ =	shalt  }
0x4e: {  	_ =	shalt  }
0x4f: {  	_ =	shalt  }
0x50: {  	_ =	shalt  }
0x51: {  	_ =	shalt  }
0x52: {  	_ =	shalt  }
0x53: {  	_ =	shalt  }
0x54: {  	_ =	shalt  }
0x55: {  	_ =	shalt  }
0x56: {  	_ =	shalt  }
0x57: {  	_ =	shalt  }
0x58: {  	_ =	shalt  }
0x59: {  	_ =	shalt  }
0x5a: {  	_ =	shalt  }
0x5b: {  	_ =	shalt  }
0x5c: {  	_ =	shalt  }
0x5d: {  	_ =	shalt  }
0x5e: {  	_ =	shalt  }
0x5f: {  	_ =	shalt  }
0x60: {  	_ =	shalt  }
0x61: {  	_ =	shalt  }
0x62: {  	_ =	shalt  }
0x63: {  	_ =	shalt  }
0x64: {  	_ =	shalt  }
0x65: {  	_ =	shalt  }
0x66: {  	_ =	shalt  }
0x67: {  	_ =	shalt  }
0x68: {  	_ =	shalt  }
0x69: {  	_ =	shalt  }
0x6a: {  	_ =	shalt  }
0x6b: {  	_ =	shalt  }
0x6c: {  	_ =	shalt  }
0x6d: {  	_ =	shalt  }
0x6e: {  	_ =	shalt  }
0x6f: {  	_ =	shalt  }
0x70: {  	_ =	shalt  }
0x71: {  	_ =	shalt  }
0x72: {  	_ =	shalt  }
0x73: {  	_ =	shalt  }
0x74: {  	_ =	shalt  }
0x75: {  	_ =	shalt  }
0x76: {  	_ =	shalt  }
0x77: {  	_ =	shalt  }
0x78: {  	_ =	shalt  }
0x79: {  	_ =	shalt  }
0x7a: {  	_ =	shalt  }
0x7b: {  	_ =	shalt  }
0x7c: {  	_ =	shalt  }
0x7d: {  	_ =	shalt  }
0x7e: {  	_ =	shalt  }
0x7f: {  	_ =	shalt  }
0x80: {  	_ =	shalt  }
0x81: {  	_ =	shalt  }
0x82: {  	_ =	shalt  }
0x83: {  	_ =	shalt  }
0x84: {  	_ =	shalt  }
0x85: {  	_ =	shalt  }
0x86: {  	_ =	shalt  }
0x87: {  	_ =	shalt  }
.Lfunc_end0:
.L_simem_size_0:
called_computation_lowered:
.L_overlay_start_0:
0x88: {  	s2 =	sld [smem:$0x3FD9]  }
0x89: {  	s3 =	sld [smem:$0x3FFE];
	_ =	sdelay $0x1  }
0x8a: {  	s1 =	srdreg.scid  }
0x8b: {  	s0 =	sand.u32 $0x1, s1  }
0x8c: {  	s14 =	sshll.u32 s0, $0xA;
	s2 =	sadd.s32 s3, s2  }
0x8d: {  	s2 =	sadd.s32 s2, s14  }
0x8e: {  	[smem:$0x3FC6] =	sst s2  }
0x8f: {  	_ = 	snop  }
0x90: {  	s2 =	sld [smem:$0x3FD0];
	_ =	sdelay $0x2  }
0x91: {  	s4 =	simm.s32 $0xA;
	s5 =	simm.s32 $0x10;
	s15 =	sld [smem:$0x3FC8]  }
0x92: {  	[smem:s5], [sflag:s4] =	dma.local [hbm:s2], $0x1  }
0x93: {  	_ =	swait.eq [sflag:s4], $0x1  }
0x94: {  	[sflag:s4] =	ssyncset.done $0x0  }
0x95: {  	[sflag:s4] =	ssyncadd.s32 $0xFFFFFFFF  }
0x96: {  	s16 =	sld [smem:$0x10];
	(tm) =	ssettm $0x1  }
0x97: {  	s17 =	sld [smem:$0x3FFB];
	_ =	sdelay $0x3  }
0x98: {  	_ =	strace s17  }
0x99: {  	s4 =	sld [smem:$0x3FFC];
	_ =	sdelay $0x3  }
0x9a: {  	_ =	strace s4  }
0x9b: {  	s4 =	sld [smem:$0x3FFD];
	_ =	sdelay $0x3  }
0x9c: {  	_ =	strace s4  }
0x9d: {  	_ =	strace $0x8FFFFFFF  }
0x9e: {  	s18 =	sld [smem:$0x3FDB];
	_ =	sdelay $0x1  }
0x9f: {  	s19 =	simm.s32 $_scs_section_size  }
0xa0: {  	s6 =	simm.s32 $_size__tile_overlayer_lowered;
	s7 =	simm.s32 $_tile_overlayer_lowered  }
0xa1: {  	s22 =	simm.s32 $0x1BFF;
	s21 =	sshll.u32 s7, $0x1;
	s4 =	sadd.s32 s19, s18  }
0xa2: {  	s8 =	simm.s32 $0x0;
	s20 =	sshll.u32 s6, $0x1;
	s6 =	sadd.s32 s21, s4  }
0xa3: {  	[timem:s8], [sflag:s22] =	dma.local [hbm:s6], s20  }
0xa4: {  	_ =	swait.ge [sflag:s22], s20  }
0xa5: {  	s5 =	ssub.s32 $0x0, s20;
	[sflag:s22] =	ssyncset.done $0x0  }
0xa6: {  	[sflag:s22] =	ssyncadd.s32 s5;
	_ =	sdelay $0x1  }
0xa7: {  	s23 =	simm.s32 $0x1B8B  }
0xa8: {  	_ =	swait.ge [sflag:s23], $0x1  }
0xa9: {  	[sflag:s23] =	ssyncset.done $0x0  }
0xaa: {  	s25 =	simm.s32 $0x1B8E;
	s24 =	sld [smem:$0x3FFE];
	[sflag:s23] =	ssyncadd.s32 $0xFFFFFFFF  }
0xab: {  	s26 =	simm.s32 $execute0_lowered;
	[smem:$0x3FD2] =	sst s25  }
0xac: {  	s6 =	sshll.u32 s26, $0x1;
	_ =	strace $0x80000046;
	[dreg:$0x1] =	wrdreg $0xFFFFFFFF  }
0xad: {  	s28 =	simm.s32 $_size_execute0_lowered;
	s4 =	sadd.s32 s4, s6;
	[dreg:$0x0] =	wrdreg $0x0  }
0xae: {  	s6 =	sshll.u32 s28, $0x1;
	[dreg:$0x2] =	wrdreg s4  }
0xaf: {  	[dreg:$0x3] =	wrdreg s6  }
0xb0: {  	[dreg:$0x4] =	wrdreg $0xC0  }
0xb1: {  	_ =	task [dreg:s8], $0x5FFFF  }
0xb2: {  	[dreg:$0x1] =	wrdreg $0xFFFFFFFF  }
0xb3: {  	[dreg:$0x0] =	wrdreg $0x60  }
0xb4: {  	[dreg:$0x2] =	wrdreg s15  }
0xb5: {  	[dreg:$0x3] =	wrdreg s24  }
0xb6: {  	[dreg:$0x4] =	wrdreg s16  }
0xb7: {  	[dreg:$0x5] =	wrdreg $0x9  }
0xb8: {  	_ =	task.clear_ibuf [dreg:s8], $0x6FFFF;
	_ =	strace $0x90000046  }
0xb9: {  	s29 =	simm.s32 $0x9;
	_ =	strace $0x80000048  }
0xba: {  	_ =	swait.ge [sflag:s29], $0x1  }
0xbb: {  	[sflag:s29] =	ssyncadd.s32 $0xFFFFFFFF  }
0xbc: {  	_ =	strace $0x90000048  }
0xbd: {  	_ =	sfence  }
0xbe: {  	s30 =	sld [smem:$0x0];
	_ =	sdelay $0x2  }
0xbf: {  	s31 =	sshll.u32 s1, $0xD;
	s1 =	sshrl.u32 s1, $0x2  }
0xc0: {  	s3 =	sand.u32 $0x4000, s31;
	s1 =	sadd.s32 s1, s30  }
0xc1: {  	s0 =	sor.u32 s3, s0;
	s1 =	sshll.u32 s1, $0x11  }
0xc2: {  	s0 =	sor.u32 s1, s0  }
0xc3: {  	s0 =	sadd.s32 $0x8F2B, s0  }
0xc4: {  	[sflag:s0] =	ssyncadd.remote.s32 $0x1  }
0xc5: {  	_ =	sfence.sel $0xFFFF  }
0xc6: {  	[dreg:$0x0] =	wrdreg $0xFFFFFFFF;
	(pc) =	sbr.abs _section_cstart, $3  }
0xc7: {  	[dreg:$0x1] =	wrdreg $0xFFFFFFFF  }
0xc8: {  	_ =	task.clear_ibuf [dreg:s8], $0x2FFFF;
	_ =	strace $0x9FFFFFFF  }
0xc9: {  	(tm) =	ssettm $0x7FFFFFFF  }
tec
execute0_lowered:
.L_overlay_start_1:
0x0: {  	(tag) =	ssettag $0x1  }
0x1: {  	s1 =	rddreg [dreg:$0x0]  }
0x2: {  	s2 =	srdreg.scid;
	s0 =	stileid.u32  }
0x3: {  	s4 =	rddreg [dreg:$0x1];
	s13 =	sand.u32 $0x1, s2;
	s30 =	sshll.u32 s0, $0x1  }
0x4: {  	s14 =	rddreg [dreg:$0x2];
	s15 =	sor.u32 s13, s30  }
0x5: {  	s3 =	simm.s32 $0x0;
	s2 =	rddreg [dreg:$0x3];
	s5 =	sshll.u32 s15, $0x6  }
0x6: {  	[smem:$0x7FF] =	sst s3;
	s4 =	sadd.s32 s5, s4  }
0x7: {  	_ =	strace $0x80000047;
	s5 =	sadd.s32 $0x600, s4;
	s4 =	simm.s32 $0x2  }
0x8: {  	[tilespmem:s3], [sflag:$0x2] =	stream.linear.gather [hbm4b:s5+s3], $0x180, $0x38;
	[tilespmem:$0x9200] =	vst v63  }
0x9: {  	_ =	swait.ge [sflag:s4], $0x180  }
0xa: {  	[sflag:s4] =	ssyncset.done $0x0  }
0xb: {  	s6 =	simm.s32 $0x60;
	s7 =	simm.s32 $0x200;
	[sflag:s4] =	ssyncadd.s32 $0xFFFFFE80  }
0xc: {  	[tilespmem:s7], [sflag:$0x1] =	stream.indirect.gather [hbm4b:s1+s6], $0x80, s3, s6, $0xb8;
	[tilespmem:$0x9200] =	vst v63  }
0xd: {  	s8 =	simm.s32 $0x80;
	s9 =	simm.s32 $0x3200  }
0xe: {  	[tilespmem:s9], [sflag:$0x1] =	stream.indirect.gather [hbm4b:s1+s6], $0x80, s8, s6, $0xb8;
	[tilespmem:$0x9200] =	vst v63  }
0xf: {  	s10 =	simm.s32 $0x100;
	s11 =	simm.s32 $0x6200;
	s12 =	simm.s32 $0x1  }
0x10: {  	[tilespmem:s11], [sflag:$0x1] =	stream.indirect.gather [hbm4b:s1+s6], $0x80, s10, s6, $0xb8;
	[tilespmem:$0x9200] =	vst v63  }
0x11: {  	_ =	swait.ge [sflag:s12], $0x3000  }
0x12: {  	[sflag:s12] =	ssyncset.done $0x0  }
0x13: {  	s13 =	ssub.s32 $0x2, s13;
	[sflag:s12] =	ssyncadd.s32 $0xFFFFD000  }
0x14: {  	s16 =	sshrl.u32 s13, $0x1;
	_ =	swait.ge [sflag:s12], $0x3000  }
0x15: {  	s16 =	ssub.s32 s13, s16;
	[sflag:s12] =	ssyncset.done $0x0  }
0x16: {  	s31 =	smax.u32 s16, $0x1;
	[sflag:s12] =	ssyncadd.s32 $0xFFFFD000  }
0x17: {  	s15 =	smul.u32 $0x1200, s15;
	p0 =	sne.s32 s31, $0x1;
	_ =	swait.ge [sflag:s12], $0x3000  }
.Ltmp0:
0x18: {  	[sflag:s12] =	ssyncset.done $0x0;
	(pc) =	sbr.rel @!p0 .LBB2_2-.Ltmp0, $4  }
0x19: {  	s13 =	sadd.s32 s14, s15;
	[sflag:s12] =	ssyncadd.s32 $0xFFFFD000  }
0x1a: {  	[hbm4b:s13+s3] =	stream.linear.scatter [tilespmem:s7], [sflag:$0x2], $0x9000, $0x38;
	[tilespmem:$0x9200] =	vst v63  }
0x1b: {  	_ =	swait.ge [sflag:s4], $0x9000  }
0x1c: {  	s14 =	sadd.s32 $0xFFFFFFFF, s31;
	[sflag:s4] =	ssyncset.done $0x0  }
.LBB2_1:
0x1d: {  	p0 =	sne.s32 s14, $0x1;
	s14 =	sadd.s32 $0xFFFFFFFF, s14;
	[sflag:s4] =	ssyncadd.s32 $0xFFFF7000  }
0x1e: {  	[tilespmem:s3], [sflag:$0x2] =	stream.linear.gather [hbm4b:s5+s3], $0x180, $0x38;
	[tilespmem:$0x9200] =	vst v63  }
0x1f: {  	_ =	swait.ge [sflag:s4], $0x180  }
0x20: {  	[sflag:s4] =	ssyncset.done $0x0  }
0x21: {  	[sflag:s4] =	ssyncadd.s32 $0xFFFFFE80  }
0x22: {  	[tilespmem:s7], [sflag:$0x1] =	stream.indirect.gather [hbm4b:s1+s6], $0x80, s3, s6, $0xb8;
	[tilespmem:$0x9200] =	vst v63  }
0x23: {  	_ = 	snop  }
0x24: {  	[tilespmem:s9], [sflag:$0x1] =	stream.indirect.gather [hbm4b:s1+s6], $0x80, s8, s6, $0xb8;
	[tilespmem:$0x9200] =	vst v63  }
0x25: {  	_ = 	snop  }
0x26: {  	[tilespmem:s11], [sflag:$0x1] =	stream.indirect.gather [hbm4b:s1+s6], $0x80, s10, s6, $0xb8;
	[tilespmem:$0x9200] =	vst v63  }
0x27: {  	_ =	swait.ge [sflag:s12], $0x3000  }
0x28: {  	[sflag:s12] =	ssyncset.done $0x0  }
0x29: {  	[sflag:s12] =	ssyncadd.s32 $0xFFFFD000  }
0x2a: {  	_ =	swait.ge [sflag:s12], $0x3000  }
0x2b: {  	[sflag:s12] =	ssyncset.done $0x0  }
0x2c: {  	[sflag:s12] =	ssyncadd.s32 $0xFFFFD000  }
0x2d: {  	_ =	swait.ge [sflag:s12], $0x3000  }
.Ltmp1:
0x2e: {  	[sflag:s12] =	ssyncset.done $0x0;
	(pc) =	sbr.rel @p0 .LBB2_1-.Ltmp1, $4  }
0x2f: {  	[sflag:s12] =	ssyncadd.s32 $0xFFFFD000  }
0x30: {  	[hbm4b:s13+s3] =	stream.linear.scatter [tilespmem:s7], [sflag:$0x2], $0x9000, $0x38;
	[tilespmem:$0x9200] =	vst v63  }
0x31: {  	_ =	swait.ge [sflag:s4], $0x9000  }
0x32: {  	[sflag:s4] =	ssyncset.done $0x0  }
.LBB2_2:
0x33: {  	[sflag:s4] =	ssyncadd.s32 $0xFFFF7000  }
0x34: {  	_ =	sfence.sel $0x180000  }
0x35: {  	[bflag:$0x0] =	sbarrier.arrive $0xFFFF  }
0x36: {  	p0 =	sne.s32 s0, $0x0;
	_ =	strace $0x90000047  }
0x37: {  	s0 =	sadd.s32 @!p0 $0x100000, s2;
	[bflag:$0x2] =	sbarrier.arrive $0xFFFF  }
0x38: {  	[sflag:s0] =	ssyncadd.tile.s32 @!p0 $0x1;
	_ =	shalt  }
.Lfunc_end2:
_tile_overlayer_lowered:
.L_overlay_start_2:
0x39: {  	(tag) =	ssettag $0x2  }
0x3a: {  	s0 =	rddreg [dreg:$0x0];
	s2 =	stileid.u32  }
0x3b: {  	s1 =	rddreg [dreg:$0x1];
	p0 =	sne.s32 s2, $0x0  }
0x3c: {  	s3 =	rddreg [dreg:$0x2];
	[bflag:$0x3] =	sbarrier.arrive $0xFFFF;
	s2 =	simm.s32 @!p0 $0x1C02  }
0x3d: {  	[timem:s3], [sflag:s2] =	dma.local @!p0 [hbm:s0], s1  }
0x3e: {  	s0 =	simm.s32 @!p0 $0x2  }
0x3f: {  	_ =	swait.ge @!p0 [sflag:s0], s1  }
0x40: {  	s1 =	ssub.s32 @!p0 $0x0, s1;
	[sflag:s0] =	ssyncset.done @!p0 $0x0  }
0x41: {  	[sflag:s0] =	ssyncadd.s32 @!p0 s1  }
0x42: {  	[bflag:$0x3] =	sbarrier.arrive $0xFFFF  }
0x43: {  	_ =	shalt  }

</sc_bundles>
